<compile_context>
chip_gen: v7x
topology: tpu7x:2x2x1
jax: 0.10.2.dev20260603
libtpu: 0.0.44.dev20260713+nightly
codegen_flags: <defaults>
</compile_context>

<pallas_src>
import functools

import jax
import jax.numpy as jnp
from jax import lax
from jax.experimental import pallas as pl
from jax.experimental.pallas import tpu as pltpu
from jax.experimental.pallas import tpu_sc as plsc

N = 10000
E = 320000
IN_DIM = 128
HID = 1000
OUT_DIM = 128

NC = 2
NS = 16
NW = NC * NS
CHUNK = 128
CPW = 2 * (-(-E // (NW * CHUNK * 2)))
TOTC = NW * CPW
STAGE = CPW // 2
E_PAD = NW * CPW * CHUNK
NP = 10240
RPT = NP // NS

@functools.cache
def _mesh():
    return plsc.VectorSubcoreMesh(
        core_axis_name="c", subcore_axis_name="s",
        num_cores=NC, num_subcores=NS)



def _sc_deg_body(dst_hbm, ones_hbm, zero_hbm, out_hbm,
                 dacc, didx, ones_v, sem0, sem1):
    c = lax.axis_index("c")
    s = lax.axis_index("s")
    wid = s * NC + c
    pltpu.sync_copy(zero_hbm.at[pl.ds(s * RPT, RPT)], dacc.at[pl.ds(s * RPT, RPT)])
    pltpu.sync_copy(ones_hbm, ones_v)
    pltpu.sync_copy(dst_hbm.at[pl.ds(wid * CPW, CPW)], didx)
    plsc.subcore_barrier()

    pltpu.async_copy(ones_v, dacc.at[didx.at[0]], sem0, add=True)

    def step(j, carry):
        i = 2 * j
        pltpu.async_copy(ones_v, dacc.at[didx.at[i + 1]], sem1, add=True)
        pltpu.make_async_copy(ones_v, dacc.at[didx.at[i]], sem0).wait()

        @pl.when(j < CPW // 2 - 1)
        def _():
            pltpu.async_copy(ones_v, dacc.at[didx.at[i + 2]], sem0, add=True)

        pltpu.make_async_copy(ones_v, dacc.at[didx.at[i + 1]], sem1).wait()
        return carry

    lax.fori_loop(0, CPW // 2, step, 0)
    plsc.subcore_barrier()
    pltpu.sync_copy(dacc.at[pl.ds(s * RPT, RPT)],
                    out_hbm.at[pl.ds(c * NP + s * RPT, RPT)])


@functools.cache
def _sc_deg_kernel():
    return pl.kernel(
        _sc_deg_body,
        out_type=jax.ShapeDtypeStruct((NC * NP,), jnp.float32),
        mesh=_mesh(),
        scratch_types=[
            pltpu.VMEM_SHARED((NP,), jnp.float32),
            pltpu.VMEM((CPW, CHUNK), jnp.int32),
            pltpu.VMEM((CHUNK,), jnp.float32),
            pltpu.SemaphoreType.DMA,
            pltpu.SemaphoreType.DMA,
        ],
    )


def _sc_deg(dst3, ones1, zeros1):
    return _sc_deg_kernel()(dst3, ones1, zeros1)


def _sc_agg_body(y_hbm, src_hbm, dst_hbm, zero_hbm, out_hbm,
                 zacc, sidx, didx, rows0, rows1, sem0, sem1):
    c = lax.axis_index("c")
    s = lax.axis_index("s")
    wid = s * NC + c
    base = wid * CPW
    pltpu.sync_copy(zero_hbm.at[pl.ds(s * RPT, RPT)], zacc.at[pl.ds(s * RPT, RPT)])
    plsc.subcore_barrier()

    def stage_loop(hs, carry0):
        pltpu.sync_copy(src_hbm.at[pl.ds(base + hs * STAGE, STAGE)], sidx)
        pltpu.sync_copy(dst_hbm.at[pl.ds(base + hs * STAGE, STAGE)], didx)
        pltpu.async_copy(y_hbm.at[sidx.at[0]], rows0, sem0)

        def step(j, carry):
            i = 2 * j
            pltpu.async_copy(y_hbm.at[sidx.at[i + 1]], rows1, sem1)
            pltpu.make_async_copy(y_hbm.at[sidx.at[i]], rows0, sem0).wait()
            pltpu.sync_copy(rows0, zacc.at[didx.at[i]], add=True)

            @pl.when(j < STAGE // 2 - 1)
            def _():
                pltpu.async_copy(y_hbm.at[sidx.at[i + 2]], rows0, sem0)

            pltpu.make_async_copy(y_hbm.at[sidx.at[i + 1]], rows1, sem1).wait()
            pltpu.sync_copy(rows1, zacc.at[didx.at[i + 1]], add=True)
            return carry

        lax.fori_loop(0, STAGE // 2, step, carry0)
        return carry0

    lax.fori_loop(0, CPW // STAGE, stage_loop, 0)
    plsc.subcore_barrier()
    pltpu.sync_copy(zacc.at[pl.ds(s * RPT, RPT)], out_hbm.at[c, pl.ds(s * RPT, RPT)])


@functools.cache
def _sc_agg_kernel():
    return pl.kernel(
        _sc_agg_body,
        out_type=jax.ShapeDtypeStruct((NC, NP, IN_DIM), jnp.float32),
        mesh=_mesh(),
        scratch_types=[
            pltpu.VMEM_SHARED((NP, IN_DIM), jnp.float32),
            pltpu.VMEM((STAGE, CHUNK), jnp.int32),
            pltpu.VMEM((STAGE, CHUNK), jnp.int32),
            pltpu.VMEM((CHUNK, IN_DIM), jnp.float32),
            pltpu.VMEM((CHUNK, IN_DIM), jnp.float32),
            pltpu.SemaphoreType.DMA,
            pltpu.SemaphoreType.DMA,
        ],
    )


def _sc_agg(y_ext, src3, dst3, zeros128):
    return _sc_agg_kernel()(y_ext, src3, dst3, zeros128)



BLK = 1024
GRID = -(-NP // BLK)
GRID_OUT = -(-N // BLK)


def _tc_prep_body(deg_ref, x_ref, y_ref, dinv_ref):
    i = pl.program_id(0)
    deg = deg_ref[...] + 1.0
    row = i * BLK + lax.broadcasted_iota(jnp.int32, (BLK, IN_DIM), 0)
    dinv = jnp.where(row < N, lax.rsqrt(deg), 0.0)
    dinv_ref[...] = dinv
    y_ref[...] = x_ref[...] * dinv


def _tc_prep(deg_b, x_ext):
    return pl.pallas_call(
        _tc_prep_body,
        grid=(GRID,),
        in_specs=[
            pl.BlockSpec((BLK, IN_DIM), lambda i: (i, 0)),
            pl.BlockSpec((BLK, IN_DIM), lambda i: (i, 0)),
        ],
        out_specs=[
            pl.BlockSpec((BLK, IN_DIM), lambda i: (i, 0)),
            pl.BlockSpec((BLK, IN_DIM), lambda i: (i, 0)),
        ],
        out_shape=[
            jax.ShapeDtypeStruct((NP, IN_DIM), jnp.float32),
            jax.ShapeDtypeStruct((NP, IN_DIM), jnp.float32),
        ],
    )(deg_b, x_ext)


def _tc_mid_body(z1_ref, y_ref, dinv_ref, w1_ref, b1_ref, w2_ref, y2_ref):
    a = dinv_ref[...] * (z1_ref[0] + z1_ref[1] + y_ref[...])
    h = jnp.dot(a, w1_ref[...], preferred_element_type=jnp.float32) + b1_ref[...]
    h = jnp.maximum(h, 0.0)
    y2_ref[...] = dinv_ref[...] * jnp.dot(
        h, w2_ref[...], preferred_element_type=jnp.float32)


def _tc_mid(z1, y_ext, dinv_b, w1, b1, w2):
    return pl.pallas_call(
        _tc_mid_body,
        grid=(GRID,),
        in_specs=[
            pl.BlockSpec((NC, BLK, IN_DIM), lambda i: (0, i, 0)),
            pl.BlockSpec((BLK, IN_DIM), lambda i: (i, 0)),
            pl.BlockSpec((BLK, IN_DIM), lambda i: (i, 0)),
            pl.BlockSpec((IN_DIM, HID), lambda i: (0, 0)),
            pl.BlockSpec((1, HID), lambda i: (0, 0)),
            pl.BlockSpec((HID, OUT_DIM), lambda i: (0, 0)),
        ],
        out_specs=pl.BlockSpec((BLK, IN_DIM), lambda i: (i, 0)),
        out_shape=jax.ShapeDtypeStruct((NP, IN_DIM), jnp.float32),
    )(z1, y_ext, dinv_b, w1, b1, w2)


def _tc_fin_body(z2_ref, y2_ref, dinv_ref, b2_ref, o_ref):
    o_ref[...] = (dinv_ref[...] * (z2_ref[0] + z2_ref[1] + y2_ref[...])
                  + b2_ref[...])


def _tc_fin(z2, y2_ext, dinv_b, b2):
    return pl.pallas_call(
        _tc_fin_body,
        grid=(GRID_OUT,),
        in_specs=[
            pl.BlockSpec((NC, BLK, OUT_DIM), lambda i: (0, i, 0)),
            pl.BlockSpec((BLK, OUT_DIM), lambda i: (i, 0)),
            pl.BlockSpec((BLK, OUT_DIM), lambda i: (i, 0)),
            pl.BlockSpec((1, OUT_DIM), lambda i: (0, 0)),
        ],
        out_specs=pl.BlockSpec((BLK, OUT_DIM), lambda i: (i, 0)),
        out_shape=jax.ShapeDtypeStruct((N, OUT_DIM), jnp.float32),
    )(z2, y2_ext, dinv_b, b2)



def kernel(x, edge_index, W1, b1, W2, b2):
    src = edge_index[0].astype(jnp.int32)
    dst = edge_index[1].astype(jnp.int32)
    pad = N + (jnp.arange(E_PAD - E, dtype=jnp.int32) % (NP - N))
    src3 = jnp.concatenate([src, pad]).reshape(TOTC, CHUNK)
    dst3 = jnp.concatenate([dst, pad]).reshape(TOTC, CHUNK)
    x_ext = jnp.concatenate(
        [x, jnp.zeros((NP - N, IN_DIM), dtype=jnp.float32)], axis=0)

    ones1 = jnp.ones((CHUNK,), dtype=jnp.float32)
    zeros1 = jnp.zeros((NP,), dtype=jnp.float32)
    zeros128 = jnp.zeros((NP, IN_DIM), dtype=jnp.float32)

    deg1 = _sc_deg(dst3, ones1, zeros1)
    degsum = deg1.reshape(NC, NP).sum(axis=0)
    deg_b = jnp.broadcast_to(degsum[:, None], (NP, IN_DIM))
    y_ext, dinv_b = _tc_prep(deg_b, x_ext)
    z1 = _sc_agg(y_ext, src3, dst3, zeros128)
    y2_ext = _tc_mid(z1, y_ext, dinv_b, W1, b1.reshape(1, HID), W2)
    z2 = _sc_agg(y2_ext, src3, dst3, zeros128)
    return _tc_fin(z2, y2_ext, dinv_b, b2.reshape(1, OUT_DIM))

# --- scband reference (transcript-rebuilt; emitter-appended) ---
"""Pipeline reference for scband-node-aggregation-28647431864536 (READ-ONLY COPY).

The authoritative reference and input builder live on the scoring server;
editing this copy changes nothing except your own understanding.
"""

import jax, jax.numpy as jnp
import numpy as np

N_NODES = 10000
N_EDGES = 320000
IN_DIM = 128
HID = 1000
OUT_DIM = 128


def setup_inputs(seed: int = 0) -> dict:
    key = jax.random.key(seed)
    k1, k2, k3, k4, k5, k6 = jax.random.split(key, 6)
    x = jax.random.normal(k1, (N_NODES, IN_DIM), dtype=jnp.float32)
    edge_index = jax.random.randint(k2, (2, N_EDGES), 0, N_NODES, dtype=jnp.int64)
    # Glorot-initialized GCN weights (PyG GCNConv default: glorot weight, zeros bias)
    s1 = (6.0 / (IN_DIM + HID)) ** 0.5
    W1 = jax.random.uniform(k3, (IN_DIM, HID), dtype=jnp.float32, minval=-s1, maxval=s1)
    b1 = jnp.zeros((HID,), dtype=jnp.float32)
    s2 = (6.0 / (HID + OUT_DIM)) ** 0.5
    W2 = jax.random.uniform(k4, (HID, OUT_DIM), dtype=jnp.float32, minval=-s2, maxval=s2)
    b2 = jnp.zeros((OUT_DIM,), dtype=jnp.float32)
    return {"x": x, "edge_index": edge_index, "W1": W1, "b1": b1, "W2": W2, "b2": b2}


def _gcn_conv(x, src, dst, W, b, num_nodes):
    # PyG GCNConv: add self-loops, symmetric normalization D^-1/2 (A+I) D^-1/2, then XW aggregation + bias
    loop = jnp.arange(num_nodes, dtype=src.dtype)
    s = jnp.concatenate([src, loop])
    d = jnp.concatenate([dst, loop])
    deg = jnp.zeros((num_nodes,), dtype=x.dtype).at[d].add(1.0)
    dinv = jnp.where(deg > 0, jax.lax.rsqrt(deg), 0.0)
    norm = dinv[s] * dinv[d]
    xw = x @ W
    msg = jnp.take(xw, s, axis=0) * norm[:, None]
    out = jax.ops.segment_sum(msg, d, num_segments=num_nodes)
    return out + b


def reference(x, edge_index, W1, b1, W2, b2):
    num_nodes = x.shape[0]
    src = edge_index[0]
    dst = edge_index[1]
    h = _gcn_conv(x, src, dst, W1, b1, num_nodes)
    h = jax.nn.relu(h)
    # F.dropout(training=self.training): identity at inference
    out = _gcn_conv(h, src, dst, W2, b2, num_nodes)
    return out

if __name__ == "__main__":
    import jax
    _d = setup_inputs()
    print(jax.jit(kernel)(*tuple(_d.values())))

</pallas_src>

<mosaic_0001>
#map = affine_map<(d0, d1) -> (0, 0)>
#map1 = affine_map<(d0, d1) -> (0)>
module attributes {stable_mosaic.version = 14 : i64} {
  func.func @_sc_deg_body(%arg0: i32, %arg1: i32, %arg2: memref<2560x128xi32, #tpu.memory_space<hbm>>, %arg3: memref<128xf32, #tpu.memory_space<hbm>>, %arg4: memref<10240xf32, #tpu.memory_space<hbm>>, %arg5: memref<20480xf32, #tpu.memory_space<hbm>>, %arg6: memref<10240xf32, #tpu.memory_space<vmem_shared>>, %arg7: memref<80x128xi32, #tpu.memory_space<vmem>>, %arg8: memref<128xf32, #tpu.memory_space<vmem>>, %arg9: memref<!tpu.dma_semaphore, #tpu.memory_space<semaphore_mem>>, %arg10: memref<!tpu.dma_semaphore, #tpu.memory_space<semaphore_mem>>) attributes {dimension_semantics = [#tpu.dimension_semantics<core_parallel>, #tpu.dimension_semantics<subcore_parallel>], iteration_bounds = array<i64: 2, 16>, scalar_prefetch = 0 : i64, scratch_operands = 5 : i64, tpu.core_type = #tpu.core_type<sc_vector_subcore>, window_params = [{transform_indices = #map}, {transform_indices = #map1}, {transform_indices = #map1}, {transform_indices = #map1}]} {
    %mul3A = arith.constant 2 : i32
    %mul3A_0 = arith.muli %arg1, %mul3A : i32
    %add3A = arith.addi %mul3A_0, %arg0 : i32
    %mul3A_1 = arith.constant 640 : i32
    %mul3A_2 = arith.muli %arg1, %mul3A_1 : i32
    %mul3A_3 = arith.constant 640 : i32
    %mul3A_4 = arith.muli %arg1, %mul3A_3 : i32
    "tpu.region"() ({
      %run_scoped3A = tpu.sem_alloc : memref<!tpu.dma_semaphore, #tpu.memory_space<semaphore_mem>>
      %dma_start3A_25 = tpu.memref_slice %arg6[%mul3A_4] : memref<10240xf32, #tpu.memory_space<vmem_shared>> -> memref<640xf32, #tpu.memory_space<vmem_shared>>
      %dma_start3A_26 = tpu.memref_slice %arg4[%mul3A_2] : memref<10240xf32, #tpu.memory_space<hbm>> -> memref<640xf32, #tpu.memory_space<hbm>>
      tpu.enqueue_dma source(%dma_start3A_26 : memref<640xf32, #tpu.memory_space<hbm>>) target(%dma_start3A_25 : memref<640xf32, #tpu.memory_space<vmem_shared>>) target_semaphore(%run_scoped3A : memref<!tpu.dma_semaphore, #tpu.memory_space<semaphore_mem>>)
      %dma_wait3A = tpu.memref_slice %arg6[%mul3A_4] : memref<10240xf32, #tpu.memory_space<vmem_shared>> -> memref<640xf32, #tpu.memory_space<vmem_shared>>
      %dma_wait3A_27 = tpu.memref_slice %arg4[%mul3A_2] : memref<10240xf32, #tpu.memory_space<hbm>> -> memref<640xf32, #tpu.memory_space<hbm>>
      tpu.wait_dma2 semaphore(%run_scoped3A : memref<!tpu.dma_semaphore, #tpu.memory_space<semaphore_mem>>) src(%dma_wait3A_27 : memref<640xf32, #tpu.memory_space<hbm>>) dst(%dma_wait3A : memref<640xf32, #tpu.memory_space<vmem_shared>>)
      tpu.yield
    }) : () -> ()
    "tpu.region"() ({
      %run_scoped3A = tpu.sem_alloc : memref<!tpu.dma_semaphore, #tpu.memory_space<semaphore_mem>>
      tpu.enqueue_dma source(%arg3 : memref<128xf32, #tpu.memory_space<hbm>>) target(%arg8 : memref<128xf32, #tpu.memory_space<vmem>>) target_semaphore(%run_scoped3A : memref<!tpu.dma_semaphore, #tpu.memory_space<semaphore_mem>>)
      tpu.wait_dma2 semaphore(%run_scoped3A : memref<!tpu.dma_semaphore, #tpu.memory_space<semaphore_mem>>) src(%arg3 : memref<128xf32, #tpu.memory_space<hbm>>) dst(%arg8 : memref<128xf32, #tpu.memory_space<vmem>>)
      tpu.yield
    }) : () -> ()
    %mul3A_5 = arith.constant 80 : i32
    %mul3A_6 = arith.muli %add3A, %mul3A_5 : i32
    "tpu.region"() ({
      %run_scoped3A = tpu.sem_alloc : memref<!tpu.dma_semaphore, #tpu.memory_space<semaphore_mem>>
      %dma_start3A_25 = arith.constant 0 : i32
      %dma_start3A_26 = tpu.memref_slice %arg2[%mul3A_6, %dma_start3A_25] : memref<2560x128xi32, #tpu.memory_space<hbm>> -> memref<80x128xi32, #tpu.memory_space<hbm>>
      %dma_start3A_27 = arith.constant 0 : i32
      %dma_start3A_28 = tpu.memref_slice %arg2[%mul3A_6, %dma_start3A_27] : memref<2560x128xi32, #tpu.memory_space<hbm>> -> memref<80x128xi32, #tpu.memory_space<hbm>>
      tpu.enqueue_dma source(%dma_start3A_28 : memref<80x128xi32, #tpu.memory_space<hbm>>) target(%arg7 : memref<80x128xi32, #tpu.memory_space<vmem>>) target_semaphore(%run_scoped3A : memref<!tpu.dma_semaphore, #tpu.memory_space<semaphore_mem>>)
      %dma_wait3A = arith.constant 0 : i32
      %dma_wait3A_29 = tpu.memref_slice %arg2[%mul3A_6, %dma_wait3A] : memref<2560x128xi32, #tpu.memory_space<hbm>> -> memref<80x128xi32, #tpu.memory_space<hbm>>
      %dma_wait3A_30 = arith.constant 0 : i32
      %dma_wait3A_31 = tpu.memref_slice %arg2[%mul3A_6, %dma_wait3A_30] : memref<2560x128xi32, #tpu.memory_space<hbm>> -> memref<80x128xi32, #tpu.memory_space<hbm>>
      tpu.wait_dma2 semaphore(%run_scoped3A : memref<!tpu.dma_semaphore, #tpu.memory_space<semaphore_mem>>) src(%dma_wait3A_31 : memref<80x128xi32, #tpu.memory_space<hbm>>) dst(%arg7 : memref<80x128xi32, #tpu.memory_space<vmem>>)
      tpu.yield
    }) : () -> ()
    %barrier3A = arith.constant 0 : index
    tpu.barrier barrier_id(%barrier3A)
    %dma_start3A = arith.constant 0 : i32
    %dma_start3A_7 = arith.constant 0 : i32
    %dma_start3A_8 = tpu.memref_slice %arg7[%dma_start3A, %dma_start3A_7] : memref<80x128xi32, #tpu.memory_space<vmem>> -> memref<1x128xi32, #tpu.memory_space<vmem>>
    %dma_start3A_9 = tpu.memref_squeeze %dma_start3A_8 : memref<1x128xi32, #tpu.memory_space<vmem>> -> memref<128xi32, #tpu.memory_space<vmem>>
    %dma_start3A_10 = arith.constant 0 : i32
    %dma_start3A_11 = tpu.memref_slice %arg6[%dma_start3A_10] : memref<10240xf32, #tpu.memory_space<vmem_shared>> -> memref<10240xf32, #tpu.memory_space<vmem_shared>>
    tpu.enqueue_indirect_dma source(%arg8 : memref<128xf32, #tpu.memory_space<vmem>>) target(%dma_start3A_11 : memref<10240xf32, #tpu.memory_space<vmem_shared>>) offsets(%dma_start3A_9 : memref<128xi32, #tpu.memory_space<vmem>>) semaphore(%arg9 : memref<!tpu.dma_semaphore, #tpu.memory_space<semaphore_mem>>) {add = true}
    %scan3A = arith.constant 0 : i32
    %scan3A_12 = arith.constant 0 : i32
    %scan3A_13 = arith.constant 40 : i32
    %scan3A_14 = arith.addi %scan3A_12, %scan3A_13 : i32
    %scan3A_15 = arith.constant 1 : i32
    scf.for %scan3A_25 = %scan3A_12 to %scan3A_14 step %scan3A_15  : i32 {
      %mul3A_26 = arith.constant 2 : i32
      %mul3A_27 = arith.muli %mul3A_26, %scan3A_25 : i32
      %add3A_28 = arith.constant 1 : i32
      %add3A_29 = arith.addi %mul3A_27, %add3A_28 : i32
      %dma_start3A_30 = arith.constant 0 : i32
      %dma_start3A_31 = tpu.memref_slice %arg7[%add3A_29, %dma_start3A_30] : memref<80x128xi32, #tpu.memory_space<vmem>> -> memref<1x128xi32, #tpu.memory_space<vmem>>
      %dma_start3A_32 = tpu.memref_squeeze %dma_start3A_31 : memref<1x128xi32, #tpu.memory_space<vmem>> -> memref<128xi32, #tpu.memory_space<vmem>>
      %dma_start3A_33 = arith.constant 0 : i32
      %dma_start3A_34 = tpu.memref_slice %arg6[%dma_start3A_33] : memref<10240xf32, #tpu.memory_space<vmem_shared>> -> memref<10240xf32, #tpu.memory_space<vmem_shared>>
      tpu.enqueue_indirect_dma source(%arg8 : memref<128xf32, #tpu.memory_space<vmem>>) target(%dma_start3A_34 : memref<10240xf32, #tpu.memory_space<vmem_shared>>) offsets(%dma_start3A_32 : memref<128xi32, #tpu.memory_space<vmem>>) semaphore(%arg10 : memref<!tpu.dma_semaphore, #tpu.memory_space<semaphore_mem>>) {add = true}
      %dma_wait3A = arith.constant 0 : i32
      %dma_wait3A_35 = tpu.memref_slice %arg7[%mul3A_27, %dma_wait3A] : memref<80x128xi32, #tpu.memory_space<vmem>> -> memref<1x128xi32, #tpu.memory_space<vmem>>
      %dma_wait3A_36 = tpu.memref_squeeze %dma_wait3A_35 : memref<1x128xi32, #tpu.memory_space<vmem>> -> memref<128xi32, #tpu.memory_space<vmem>>
      %dma_wait3A_37 = arith.constant 0 : i32
      %dma_wait3A_38 = tpu.memref_slice %arg6[%dma_wait3A_37] : memref<10240xf32, #tpu.memory_space<vmem_shared>> -> memref<10240xf32, #tpu.memory_space<vmem_shared>>
      tpu.wait_indirect_dma semaphore(%arg9 : memref<!tpu.dma_semaphore, #tpu.memory_space<semaphore_mem>>) src(%arg8 : memref<128xf32, #tpu.memory_space<vmem>>) dst(%dma_wait3A_38 : memref<10240xf32, #tpu.memory_space<vmem_shared>>)
      %lt3A = arith.constant 39 : i32
      %lt3A_39 = arith.cmpi slt, %scan3A_25, %lt3A : i32
      %convert_element_type3A = arith.extui %lt3A_39 : i1 to i32
      %cond3A = arith.constant 0 : i32
      %cond3A_40 = arith.cmpi ne, %convert_element_type3A, %cond3A : i32
      scf.if %cond3A_40 {
        %add3A_48 = arith.constant 2 : i32
        %add3A_49 = arith.addi %mul3A_27, %add3A_48 : i32
        %dma_start3A_50 = arith.constant 0 : i32
        %dma_start3A_51 = tpu.memref_slice %arg7[%add3A_49, %dma_start3A_50] : memref<80x128xi32, #tpu.memory_space<vmem>> -> memref<1x128xi32, #tpu.memory_space<vmem>>
        %dma_start3A_52 = tpu.memref_squeeze %dma_start3A_51 : memref<1x128xi32, #tpu.memory_space<vmem>> -> memref<128xi32, #tpu.memory_space<vmem>>
        %dma_start3A_53 = arith.constant 0 : i32
        %dma_start3A_54 = tpu.memref_slice %arg6[%dma_start3A_53] : memref<10240xf32, #tpu.memory_space<vmem_shared>> -> memref<10240xf32, #tpu.memory_space<vmem_shared>>
        tpu.enqueue_indirect_dma source(%arg8 : memref<128xf32, #tpu.memory_space<vmem>>) target(%dma_start3A_54 : memref<10240xf32, #tpu.memory_space<vmem_shared>>) offsets(%dma_start3A_52 : memref<128xi32, #tpu.memory_space<vmem>>) semaphore(%arg9 : memref<!tpu.dma_semaphore, #tpu.memory_space<semaphore_mem>>) {add = true}
      } else {
      }
      %add3A_41 = arith.constant 1 : i32
      %add3A_42 = arith.addi %mul3A_27, %add3A_41 : i32
      %dma_wait3A_43 = arith.constant 0 : i32
      %dma_wait3A_44 = tpu.memref_slice %arg7[%add3A_42, %dma_wait3A_43] : memref<80x128xi32, #tpu.memory_space<vmem>> -> memref<1x128xi32, #tpu.memory_space<vmem>>
      %dma_wait3A_45 = tpu.memref_squeeze %dma_wait3A_44 : memref<1x128xi32, #tpu.memory_space<vmem>> -> memref<128xi32, #tpu.memory_space<vmem>>
      %dma_wait3A_46 = arith.constant 0 : i32
      %dma_wait3A_47 = tpu.memref_slice %arg6[%dma_wait3A_46] : memref<10240xf32, #tpu.memory_space<vmem_shared>> -> memref<10240xf32, #tpu.memory_space<vmem_shared>>
      tpu.wait_indirect_dma semaphore(%arg10 : memref<!tpu.dma_semaphore, #tpu.memory_space<semaphore_mem>>) src(%arg8 : memref<128xf32, #tpu.memory_space<vmem>>) dst(%dma_wait3A_47 : memref<10240xf32, #tpu.memory_space<vmem_shared>>)
    }
    %scan3A_16 = arith.constant 40 : i32
    %barrier3A_17 = arith.constant 0 : index
    tpu.barrier barrier_id(%barrier3A_17)
    %mul3A_18 = arith.constant 640 : i32
    %mul3A_19 = arith.muli %arg1, %mul3A_18 : i32
    %mul3A_20 = arith.constant 10240 : i32
    %mul3A_21 = arith.muli %arg0, %mul3A_20 : i32
    %mul3A_22 = arith.constant 640 : i32
    %mul3A_23 = arith.muli %arg1, %mul3A_22 : i32
    %add3A_24 = arith.addi %mul3A_21, %mul3A_23 : i32
    "tpu.region"() ({
      %run_scoped3A = tpu.sem_alloc : memref<!tpu.dma_semaphore, #tpu.memory_space<semaphore_mem>>
      %dma_start3A_25 = tpu.memref_slice %arg5[%add3A_24] : memref<20480xf32, #tpu.memory_space<hbm>> -> memref<640xf32, #tpu.memory_space<hbm>>
      %dma_start3A_26 = tpu.memref_slice %arg6[%mul3A_19] : memref<10240xf32, #tpu.memory_space<vmem_shared>> -> memref<640xf32, #tpu.memory_space<vmem_shared>>
      tpu.enqueue_dma source(%dma_start3A_26 : memref<640xf32, #tpu.memory_space<vmem_shared>>) target(%dma_start3A_25 : memref<640xf32, #tpu.memory_space<hbm>>) target_semaphore(%run_scoped3A : memref<!tpu.dma_semaphore, #tpu.memory_space<semaphore_mem>>)
      %dma_wait3A = tpu.memref_slice %arg5[%add3A_24] : memref<20480xf32, #tpu.memory_space<hbm>> -> memref<640xf32, #tpu.memory_space<hbm>>
      %dma_wait3A_27 = tpu.memref_slice %arg6[%mul3A_19] : memref<10240xf32, #tpu.memory_space<vmem_shared>> -> memref<640xf32, #tpu.memory_space<vmem_shared>>
      tpu.wait_dma2 semaphore(%run_scoped3A : memref<!tpu.dma_semaphore, #tpu.memory_space<semaphore_mem>>) src(%dma_wait3A_27 : memref<640xf32, #tpu.memory_space<vmem_shared>>) dst(%dma_wait3A : memref<640xf32, #tpu.memory_space<hbm>>)
      tpu.yield
    }) : () -> ()
    return
  }
}

#map = affine_map<(d0, d1) -> (0, 0)>
#map1 = affine_map<(d0, d1) -> (0, 0, 0)>
module attributes {stable_mosaic.version = 14 : i64} {
  func.func @_sc_agg_body(%arg0: i32, %arg1: i32, %arg2: memref<10240x128xf32, #tpu.memory_space<hbm>>, %arg3: memref<2560x128xi32, #tpu.memory_space<hbm>>, %arg4: memref<2560x128xi32, #tpu.memory_space<hbm>>, %arg5: memref<10240x128xf32, #tpu.memory_space<hbm>>, %arg6: memref<2x10240x128xf32, #tpu.memory_space<hbm>>, %arg7: memref<10240x128xf32, #tpu.memory_space<vmem_shared>>, %arg8: memref<40x128xi32, #tpu.memory_space<vmem>>, %arg9: memref<40x128xi32, #tpu.memory_space<vmem>>, %arg10: memref<128x128xf32, #tpu.memory_space<vmem>>, %arg11: memref<128x128xf32, #tpu.memory_space<vmem>>, %arg12: memref<!tpu.dma_semaphore, #tpu.memory_space<semaphore_mem>>, %arg13: memref<!tpu.dma_semaphore, #tpu.memory_space<semaphore_mem>>) attributes {dimension_semantics = [#tpu.dimension_semantics<core_parallel>, #tpu.dimension_semantics<subcore_parallel>], iteration_bounds = array<i64: 2, 16>, scalar_prefetch = 0 : i64, scratch_operands = 7 : i64, tpu.core_type = #tpu.core_type<sc_vector_subcore>, window_params = [{transform_indices = #map}, {transform_indices = #map}, {transform_indices = #map}, {transform_indices = #map}, {transform_indices = #map1}]} {
    %mul3A = arith.constant 2 : i32
    %mul3A_0 = arith.muli %arg1, %mul3A : i32
    %add3A = arith.addi %mul3A_0, %arg0 : i32
    %mul3A_1 = arith.constant 80 : i32
    %mul3A_2 = arith.muli %add3A, %mul3A_1 : i32
    %mul3A_3 = arith.constant 640 : i32
    %mul3A_4 = arith.muli %arg1, %mul3A_3 : i32
    %mul3A_5 = arith.constant 640 : i32
    %mul3A_6 = arith.muli %arg1, %mul3A_5 : i32
    "tpu.region"() ({
      %run_scoped3A = tpu.sem_alloc : memref<!tpu.dma_semaphore, #tpu.memory_space<semaphore_mem>>
      %dma_start3A = arith.constant 0 : i32
      %dma_start3A_17 = tpu.memref_slice %arg7[%mul3A_6, %dma_start3A] : memref<10240x128xf32, #tpu.memory_space<vmem_shared>> -> memref<640x128xf32, #tpu.memory_space<vmem_shared>>
      %dma_start3A_18 = arith.constant 0 : i32
      %dma_start3A_19 = tpu.memref_slice %arg5[%mul3A_4, %dma_start3A_18] : memref<10240x128xf32, #tpu.memory_space<hbm>> -> memref<640x128xf32, #tpu.memory_space<hbm>>
      tpu.enqueue_dma source(%dma_start3A_19 : memref<640x128xf32, #tpu.memory_space<hbm>>) target(%dma_start3A_17 : memref<640x128xf32, #tpu.memory_space<vmem_shared>>) target_semaphore(%run_scoped3A : memref<!tpu.dma_semaphore, #tpu.memory_space<semaphore_mem>>)
      %dma_wait3A = arith.constant 0 : i32
      %dma_wait3A_20 = tpu.memref_slice %arg7[%mul3A_6, %dma_wait3A] : memref<10240x128xf32, #tpu.memory_space<vmem_shared>> -> memref<640x128xf32, #tpu.memory_space<vmem_shared>>
      %dma_wait3A_21 = arith.constant 0 : i32
      %dma_wait3A_22 = tpu.memref_slice %arg5[%mul3A_4, %dma_wait3A_21] : memref<10240x128xf32, #tpu.memory_space<hbm>> -> memref<640x128xf32, #tpu.memory_space<hbm>>
      tpu.wait_dma2 semaphore(%run_scoped3A : memref<!tpu.dma_semaphore, #tpu.memory_space<semaphore_mem>>) src(%dma_wait3A_22 : memref<640x128xf32, #tpu.memory_space<hbm>>) dst(%dma_wait3A_20 : memref<640x128xf32, #tpu.memory_space<vmem_shared>>)
      tpu.yield
    }) : () -> ()
    %barrier3A = arith.constant 0 : index
    tpu.barrier barrier_id(%barrier3A)
    %scan3A = arith.constant 0 : i32
    %scan3A_7 = arith.constant 0 : i32
    %scan3A_8 = arith.constant 2 : i32
    %scan3A_9 = arith.addi %scan3A_7, %scan3A_8 : i32
    %scan3A_10 = arith.constant 1 : i32
    scf.for %scan3A_17 = %scan3A_7 to %scan3A_9 step %scan3A_10  : i32 {
      %mul3A_18 = arith.constant 40 : i32
      %mul3A_19 = arith.muli %scan3A_17, %mul3A_18 : i32
      %add3A_20 = arith.addi %mul3A_2, %mul3A_19 : i32
      "tpu.region"() ({
        %run_scoped3A = tpu.sem_alloc : memref<!tpu.dma_semaphore, #tpu.memory_space<semaphore_mem>>
        %dma_start3A_35 = arith.constant 0 : i32
        %dma_start3A_36 = tpu.memref_slice %arg3[%add3A_20, %dma_start3A_35] : memref<2560x128xi32, #tpu.memory_space<hbm>> -> memref<40x128xi32, #tpu.memory_space<hbm>>
        %dma_start3A_37 = arith.constant 0 : i32
        %dma_start3A_38 = tpu.memref_slice %arg3[%add3A_20, %dma_start3A_37] : memref<2560x128xi32, #tpu.memory_space<hbm>> -> memref<40x128xi32, #tpu.memory_space<hbm>>
        tpu.enqueue_dma source(%dma_start3A_38 : memref<40x128xi32, #tpu.memory_space<hbm>>) target(%arg8 : memref<40x128xi32, #tpu.memory_space<vmem>>) target_semaphore(%run_scoped3A : memref<!tpu.dma_semaphore, #tpu.memory_space<semaphore_mem>>)
        %dma_wait3A = arith.constant 0 : i32
        %dma_wait3A_39 = tpu.memref_slice %arg3[%add3A_20, %dma_wait3A] : memref<2560x128xi32, #tpu.memory_space<hbm>> -> memref<40x128xi32, #tpu.memory_space<hbm>>
        %dma_wait3A_40 = arith.constant 0 : i32
        %dma_wait3A_41 = tpu.memref_slice %arg3[%add3A_20, %dma_wait3A_40] : memref<2560x128xi32, #tpu.memory_space<hbm>> -> memref<40x128xi32, #tpu.memory_space<hbm>>
        tpu.wait_dma2 semaphore(%run_scoped3A : memref<!tpu.dma_semaphore, #tpu.memory_space<semaphore_mem>>) src(%dma_wait3A_41 : memref<40x128xi32, #tpu.memory_space<hbm>>) dst(%arg8 : memref<40x128xi32, #tpu.memory_space<vmem>>)
        tpu.yield
      }) : () -> ()
      %mul3A_21 = arith.constant 40 : i32
      %mul3A_22 = arith.muli %scan3A_17, %mul3A_21 : i32
      %add3A_23 = arith.addi %mul3A_2, %mul3A_22 : i32
      "tpu.region"() ({
        %run_scoped3A = tpu.sem_alloc : memref<!tpu.dma_semaphore, #tpu.memory_space<semaphore_mem>>
        %dma_start3A_35 = arith.constant 0 : i32
        %dma_start3A_36 = tpu.memref_slice %arg4[%add3A_23, %dma_start3A_35] : memref<2560x128xi32, #tpu.memory_space<hbm>> -> memref<40x128xi32, #tpu.memory_space<hbm>>
        %dma_start3A_37 = arith.constant 0 : i32
        %dma_start3A_38 = tpu.memref_slice %arg4[%add3A_23, %dma_start3A_37] : memref<2560x128xi32, #tpu.memory_space<hbm>> -> memref<40x128xi32, #tpu.memory_space<hbm>>
        tpu.enqueue_dma source(%dma_start3A_38 : memref<40x128xi32, #tpu.memory_space<hbm>>) target(%arg9 : memref<40x128xi32, #tpu.memory_space<vmem>>) target_semaphore(%run_scoped3A : memref<!tpu.dma_semaphore, #tpu.memory_space<semaphore_mem>>)
        %dma_wait3A = arith.constant 0 : i32
        %dma_wait3A_39 = tpu.memref_slice %arg4[%add3A_23, %dma_wait3A] : memref<2560x128xi32, #tpu.memory_space<hbm>> -> memref<40x128xi32, #tpu.memory_space<hbm>>
        %dma_wait3A_40 = arith.constant 0 : i32
        %dma_wait3A_41 = tpu.memref_slice %arg4[%add3A_23, %dma_wait3A_40] : memref<2560x128xi32, #tpu.memory_space<hbm>> -> memref<40x128xi32, #tpu.memory_space<hbm>>
        tpu.wait_dma2 semaphore(%run_scoped3A : memref<!tpu.dma_semaphore, #tpu.memory_space<semaphore_mem>>) src(%dma_wait3A_41 : memref<40x128xi32, #tpu.memory_space<hbm>>) dst(%arg9 : memref<40x128xi32, #tpu.memory_space<vmem>>)
        tpu.yield
      }) : () -> ()
      %dma_start3A = arith.constant 0 : i32
      %dma_start3A_24 = arith.constant 0 : i32
      %dma_start3A_25 = tpu.memref_slice %arg8[%dma_start3A, %dma_start3A_24] : memref<40x128xi32, #tpu.memory_space<vmem>> -> memref<1x128xi32, #tpu.memory_space<vmem>>
      %dma_start3A_26 = tpu.memref_squeeze %dma_start3A_25 : memref<1x128xi32, #tpu.memory_space<vmem>> -> memref<128xi32, #tpu.memory_space<vmem>>
      %dma_start3A_27 = arith.constant 0 : i32
      %dma_start3A_28 = arith.constant 0 : i32
      %dma_start3A_29 = tpu.memref_slice %arg2[%dma_start3A_27, %dma_start3A_28] : memref<10240x128xf32, #tpu.memory_space<hbm>> -> memref<10240x128xf32, #tpu.memory_space<hbm>>
      tpu.enqueue_indirect_dma source(%dma_start3A_29 : memref<10240x128xf32, #tpu.memory_space<hbm>>) target(%arg10 : memref<128x128xf32, #tpu.memory_space<vmem>>) offsets(%dma_start3A_26 : memref<128xi32, #tpu.memory_space<vmem>>) semaphore(%arg12 : memref<!tpu.dma_semaphore, #tpu.memory_space<semaphore_mem>>)
      %scan3A_30 = arith.constant 0 : i32
      %scan3A_31 = arith.constant 20 : i32
      %scan3A_32 = arith.addi %scan3A_30, %scan3A_31 : i32
      %scan3A_33 = arith.constant 1 : i32
      scf.for %scan3A_35 = %scan3A_30 to %scan3A_32 step %scan3A_33  : i32 {
        %mul3A_36 = arith.constant 2 : i32
        %mul3A_37 = arith.muli %mul3A_36, %scan3A_35 : i32
        %add3A_38 = arith.constant 1 : i32
        %add3A_39 = arith.addi %mul3A_37, %add3A_38 : i32
        %dma_start3A_40 = arith.constant 0 : i32
        %dma_start3A_41 = tpu.memref_slice %arg8[%add3A_39, %dma_start3A_40] : memref<40x128xi32, #tpu.memory_space<vmem>> -> memref<1x128xi32, #tpu.memory_space<vmem>>
        %dma_start3A_42 = tpu.memref_squeeze %dma_start3A_41 : memref<1x128xi32, #tpu.memory_space<vmem>> -> memref<128xi32, #tpu.memory_space<vmem>>
        %dma_start3A_43 = arith.constant 0 : i32
        %dma_start3A_44 = arith.constant 0 : i32
        %dma_start3A_45 = tpu.memref_slice %arg2[%dma_start3A_43, %dma_start3A_44] : memref<10240x128xf32, #tpu.memory_space<hbm>> -> memref<10240x128xf32, #tpu.memory_space<hbm>>
        tpu.enqueue_indirect_dma source(%dma_start3A_45 : memref<10240x128xf32, #tpu.memory_space<hbm>>) target(%arg11 : memref<128x128xf32, #tpu.memory_space<vmem>>) offsets(%dma_start3A_42 : memref<128xi32, #tpu.memory_space<vmem>>) semaphore(%arg13 : memref<!tpu.dma_semaphore, #tpu.memory_space<semaphore_mem>>)
        %dma_wait3A = arith.constant 0 : i32
        %dma_wait3A_46 = tpu.memref_slice %arg8[%mul3A_37, %dma_wait3A] : memref<40x128xi32, #tpu.memory_space<vmem>> -> memref<1x128xi32, #tpu.memory_space<vmem>>
        %dma_wait3A_47 = tpu.memref_squeeze %dma_wait3A_46 : memref<1x128xi32, #tpu.memory_space<vmem>> -> memref<128xi32, #tpu.memory_space<vmem>>
        %dma_wait3A_48 = arith.constant 0 : i32
        %dma_wait3A_49 = arith.constant 0 : i32
        %dma_wait3A_50 = tpu.memref_slice %arg2[%dma_wait3A_48, %dma_wait3A_49] : memref<10240x128xf32, #tpu.memory_space<hbm>> -> memref<10240x128xf32, #tpu.memory_space<hbm>>
        tpu.wait_indirect_dma semaphore(%arg12 : memref<!tpu.dma_semaphore, #tpu.memory_space<semaphore_mem>>) src(%dma_wait3A_50 : memref<10240x128xf32, #tpu.memory_space<hbm>>) dst(%arg10 : memref<128x128xf32, #tpu.memory_space<vmem>>)
        "tpu.region"() ({
          %run_scoped3A = tpu.sem_alloc : memref<!tpu.dma_semaphore, #tpu.memory_space<semaphore_mem>>
          %dma_start3A_63 = arith.constant 0 : i32
          %dma_start3A_64 = tpu.memref_slice %arg9[%mul3A_37, %dma_start3A_63] : memref<40x128xi32, #tpu.memory_space<vmem>> -> memref<1x128xi32, #tpu.memory_space<vmem>>
          %dma_start3A_65 = tpu.memref_squeeze %dma_start3A_64 : memref<1x128xi32, #tpu.memory_space<vmem>> -> memref<128xi32, #tpu.memory_space<vmem>>
          %dma_start3A_66 = arith.constant 0 : i32
          %dma_start3A_67 = arith.constant 0 : i32
          %dma_start3A_68 = tpu.memref_slice %arg7[%dma_start3A_66, %dma_start3A_67] : memref<10240x128xf32, #tpu.memory_space<vmem_shared>> -> memref<10240x128xf32, #tpu.memory_space<vmem_shared>>
          tpu.enqueue_indirect_dma source(%arg10 : memref<128x128xf32, #tpu.memory_space<vmem>>) target(%dma_start3A_68 : memref<10240x128xf32, #tpu.memory_space<vmem_shared>>) offsets(%dma_start3A_65 : memref<128xi32, #tpu.memory_space<vmem>>) semaphore(%run_scoped3A : memref<!tpu.dma_semaphore, #tpu.memory_space<semaphore_mem>>) {add = true}
          %dma_wait3A_69 = arith.constant 0 : i32
          %dma_wait3A_70 = tpu.memref_slice %arg9[%mul3A_37, %dma_wait3A_69] : memref<40x128xi32, #tpu.memory_space<vmem>> -> memref<1x128xi32, #tpu.memory_space<vmem>>
          %dma_wait3A_71 = tpu.memref_squeeze %dma_wait3A_70 : memref<1x128xi32, #tpu.memory_space<vmem>> -> memref<128xi32, #tpu.memory_space<vmem>>
          %dma_wait3A_72 = arith.constant 0 : i32
          %dma_wait3A_73 = arith.constant 0 : i32
          %dma_wait3A_74 = tpu.memref_slice %arg7[%dma_wait3A_72, %dma_wait3A_73] : memref<10240x128xf32, #tpu.memory_space<vmem_shared>> -> memref<10240x128xf32, #tpu.memory_space<vmem_shared>>
          tpu.wait_indirect_dma semaphore(%run_scoped3A : memref<!tpu.dma_semaphore, #tpu.memory_space<semaphore_mem>>) src(%arg10 : memref<128x128xf32, #tpu.memory_space<vmem>>) dst(%dma_wait3A_74 : memref<10240x128xf32, #tpu.memory_space<vmem_shared>>)
          tpu.yield
        }) : () -> ()
        %lt3A = arith.constant 19 : i32
        %lt3A_51 = arith.cmpi slt, %scan3A_35, %lt3A : i32
        %convert_element_type3A = arith.extui %lt3A_51 : i1 to i32
        %cond3A = arith.constant 0 : i32
        %cond3A_52 = arith.cmpi ne, %convert_element_type3A, %cond3A : i32
        scf.if %cond3A_52 {
          %add3A_63 = arith.constant 2 : i32
          %add3A_64 = arith.addi %mul3A_37, %add3A_63 : i32
          %dma_start3A_65 = arith.constant 0 : i32
          %dma_start3A_66 = tpu.memref_slice %arg8[%add3A_64, %dma_start3A_65] : memref<40x128xi32, #tpu.memory_space<vmem>> -> memref<1x128xi32, #tpu.memory_space<vmem>>
          %dma_start3A_67 = tpu.memref_squeeze %dma_start3A_66 : memref<1x128xi32, #tpu.memory_space<vmem>> -> memref<128xi32, #tpu.memory_space<vmem>>
          %dma_start3A_68 = arith.constant 0 : i32
          %dma_start3A_69 = arith.constant 0 : i32
          %dma_start3A_70 = tpu.memref_slice %arg2[%dma_start3A_68, %dma_start3A_69] : memref<10240x128xf32, #tpu.memory_space<hbm>> -> memref<10240x128xf32, #tpu.memory_space<hbm>>
          tpu.enqueue_indirect_dma source(%dma_start3A_70 : memref<10240x128xf32, #tpu.memory_space<hbm>>) target(%arg10 : memref<128x128xf32, #tpu.memory_space<vmem>>) offsets(%dma_start3A_67 : memref<128xi32, #tpu.memory_space<vmem>>) semaphore(%arg12 : memref<!tpu.dma_semaphore, #tpu.memory_space<semaphore_mem>>)
        } else {
        }
        %add3A_53 = arith.constant 1 : i32
        %add3A_54 = arith.addi %mul3A_37, %add3A_53 : i32
        %dma_wait3A_55 = arith.constant 0 : i32
        %dma_wait3A_56 = tpu.memref_slice %arg8[%add3A_54, %dma_wait3A_55] : memref<40x128xi32, #tpu.memory_space<vmem>> -> memref<1x128xi32, #tpu.memory_space<vmem>>
        %dma_wait3A_57 = tpu.memref_squeeze %dma_wait3A_56 : memref<1x128xi32, #tpu.memory_space<vmem>> -> memref<128xi32, #tpu.memory_space<vmem>>
        %dma_wait3A_58 = arith.constant 0 : i32
        %dma_wait3A_59 = arith.constant 0 : i32
        %dma_wait3A_60 = tpu.memref_slice %arg2[%dma_wait3A_58, %dma_wait3A_59] : memref<10240x128xf32, #tpu.memory_space<hbm>> -> memref<10240x128xf32, #tpu.memory_space<hbm>>
        tpu.wait_indirect_dma semaphore(%arg13 : memref<!tpu.dma_semaphore, #tpu.memory_space<semaphore_mem>>) src(%dma_wait3A_60 : memref<10240x128xf32, #tpu.memory_space<hbm>>) dst(%arg11 : memref<128x128xf32, #tpu.memory_space<vmem>>)
        %add3A_61 = arith.constant 1 : i32
        %add3A_62 = arith.addi %mul3A_37, %add3A_61 : i32
        "tpu.region"() ({
          %run_scoped3A = tpu.sem_alloc : memref<!tpu.dma_semaphore, #tpu.memory_space<semaphore_mem>>
          %dma_start3A_63 = arith.constant 0 : i32
          %dma_start3A_64 = tpu.memref_slice %arg9[%add3A_62, %dma_start3A_63] : memref<40x128xi32, #tpu.memory_space<vmem>> -> memref<1x128xi32, #tpu.memory_space<vmem>>
          %dma_start3A_65 = tpu.memref_squeeze %dma_start3A_64 : memref<1x128xi32, #tpu.memory_space<vmem>> -> memref<128xi32, #tpu.memory_space<vmem>>
          %dma_start3A_66 = arith.constant 0 : i32
          %dma_start3A_67 = arith.constant 0 : i32
          %dma_start3A_68 = tpu.memref_slice %arg7[%dma_start3A_66, %dma_start3A_67] : memref<10240x128xf32, #tpu.memory_space<vmem_shared>> -> memref<10240x128xf32, #tpu.memory_space<vmem_shared>>
          tpu.enqueue_indirect_dma source(%arg11 : memref<128x128xf32, #tpu.memory_space<vmem>>) target(%dma_start3A_68 : memref<10240x128xf32, #tpu.memory_space<vmem_shared>>) offsets(%dma_start3A_65 : memref<128xi32, #tpu.memory_space<vmem>>) semaphore(%run_scoped3A : memref<!tpu.dma_semaphore, #tpu.memory_space<semaphore_mem>>) {add = true}
          %dma_wait3A_69 = arith.constant 0 : i32
          %dma_wait3A_70 = tpu.memref_slice %arg9[%add3A_62, %dma_wait3A_69] : memref<40x128xi32, #tpu.memory_space<vmem>> -> memref<1x128xi32, #tpu.memory_space<vmem>>
          %dma_wait3A_71 = tpu.memref_squeeze %dma_wait3A_70 : memref<1x128xi32, #tpu.memory_space<vmem>> -> memref<128xi32, #tpu.memory_space<vmem>>
          %dma_wait3A_72 = arith.constant 0 : i32
          %dma_wait3A_73 = arith.constant 0 : i32
          %dma_wait3A_74 = tpu.memref_slice %arg7[%dma_wait3A_72, %dma_wait3A_73] : memref<10240x128xf32, #tpu.memory_space<vmem_shared>> -> memref<10240x128xf32, #tpu.memory_space<vmem_shared>>
          tpu.wait_indirect_dma semaphore(%run_scoped3A : memref<!tpu.dma_semaphore, #tpu.memory_space<semaphore_mem>>) src(%arg11 : memref<128x128xf32, #tpu.memory_space<vmem>>) dst(%dma_wait3A_74 : memref<10240x128xf32, #tpu.memory_space<vmem_shared>>)
          tpu.yield
        }) : () -> ()
      }
      %scan3A_34 = arith.constant 20 : i32
    }
    %scan3A_11 = arith.constant 2 : i32
    %barrier3A_12 = arith.constant 0 : index
    tpu.barrier barrier_id(%barrier3A_12)
    %mul3A_13 = arith.constant 640 : i32
    %mul3A_14 = arith.muli %arg1, %mul3A_13 : i32
    %mul3A_15 = arith.constant 640 : i32
    %mul3A_16 = arith.muli %arg1, %mul3A_15 : i32
    "tpu.region"() ({
      %run_scoped3A = tpu.sem_alloc : memref<!tpu.dma_semaphore, #tpu.memory_space<semaphore_mem>>
      %dma_start3A = arith.constant 0 : i32
      %dma_start3A_17 = tpu.memref_slice %arg6[%arg0, %mul3A_16, %dma_start3A] : memref<2x10240x128xf32, #tpu.memory_space<hbm>> -> memref<1x640x128xf32, #tpu.memory_space<hbm>>
      %dma_start3A_18 = tpu.memref_squeeze %dma_start3A_17 : memref<1x640x128xf32, #tpu.memory_space<hbm>> -> memref<640x128xf32, #tpu.memory_space<hbm>>
      %dma_start3A_19 = arith.constant 0 : i32
      %dma_start3A_20 = tpu.memref_slice %arg7[%mul3A_14, %dma_start3A_19] : memref<10240x128xf32, #tpu.memory_space<vmem_shared>> -> memref<640x128xf32, #tpu.memory_space<vmem_shared>>
      tpu.enqueue_dma source(%dma_start3A_20 : memref<640x128xf32, #tpu.memory_space<vmem_shared>>) target(%dma_start3A_18 : memref<640x128xf32, #tpu.memory_space<hbm>>) target_semaphore(%run_scoped3A : memref<!tpu.dma_semaphore, #tpu.memory_space<semaphore_mem>>)
      %dma_wait3A = arith.constant 0 : i32
      %dma_wait3A_21 = tpu.memref_slice %arg6[%arg0, %mul3A_16, %dma_wait3A] : memref<2x10240x128xf32, #tpu.memory_space<hbm>> -> memref<1x640x128xf32, #tpu.memory_space<hbm>>
      %dma_wait3A_22 = tpu.memref_squeeze %dma_wait3A_21 : memref<1x640x128xf32, #tpu.memory_space<hbm>> -> memref<640x128xf32, #tpu.memory_space<hbm>>
      %dma_wait3A_23 = arith.constant 0 : i32
      %dma_wait3A_24 = tpu.memref_slice %arg7[%mul3A_14, %dma_wait3A_23] : memref<10240x128xf32, #tpu.memory_space<vmem_shared>> -> memref<640x128xf32, #tpu.memory_space<vmem_shared>>
      tpu.wait_dma2 semaphore(%run_scoped3A : memref<!tpu.dma_semaphore, #tpu.memory_space<semaphore_mem>>) src(%dma_wait3A_24 : memref<640x128xf32, #tpu.memory_space<vmem_shared>>) dst(%dma_wait3A_22 : memref<640x128xf32, #tpu.memory_space<hbm>>)
      tpu.yield
    }) : () -> ()
    return
  }
}

#map = affine_map<(d0, d1) -> (0, 0)>
#map1 = affine_map<(d0, d1) -> (0, 0, 0)>
module attributes {stable_mosaic.version = 14 : i64} {
  func.func @_sc_agg_body(%arg0: i32, %arg1: i32, %arg2: memref<10240x128xf32, #tpu.memory_space<hbm>>, %arg3: memref<2560x128xi32, #tpu.memory_space<hbm>>, %arg4: memref<2560x128xi32, #tpu.memory_space<hbm>>, %arg5: memref<10240x128xf32, #tpu.memory_space<hbm>>, %arg6: memref<2x10240x128xf32, #tpu.memory_space<hbm>>, %arg7: memref<10240x128xf32, #tpu.memory_space<vmem_shared>>, %arg8: memref<40x128xi32, #tpu.memory_space<vmem>>, %arg9: memref<40x128xi32, #tpu.memory_space<vmem>>, %arg10: memref<128x128xf32, #tpu.memory_space<vmem>>, %arg11: memref<128x128xf32, #tpu.memory_space<vmem>>, %arg12: memref<!tpu.dma_semaphore, #tpu.memory_space<semaphore_mem>>, %arg13: memref<!tpu.dma_semaphore, #tpu.memory_space<semaphore_mem>>) attributes {dimension_semantics = [#tpu.dimension_semantics<core_parallel>, #tpu.dimension_semantics<subcore_parallel>], iteration_bounds = array<i64: 2, 16>, scalar_prefetch = 0 : i64, scratch_operands = 7 : i64, tpu.core_type = #tpu.core_type<sc_vector_subcore>, window_params = [{transform_indices = #map}, {transform_indices = #map}, {transform_indices = #map}, {transform_indices = #map}, {transform_indices = #map1}]} {
    %mul3A = arith.constant 2 : i32
    %mul3A_0 = arith.muli %arg1, %mul3A : i32
    %add3A = arith.addi %mul3A_0, %arg0 : i32
    %mul3A_1 = arith.constant 80 : i32
    %mul3A_2 = arith.muli %add3A, %mul3A_1 : i32
    %mul3A_3 = arith.constant 640 : i32
    %mul3A_4 = arith.muli %arg1, %mul3A_3 : i32
    %mul3A_5 = arith.constant 640 : i32
    %mul3A_6 = arith.muli %arg1, %mul3A_5 : i32
    "tpu.region"() ({
      %run_scoped3A = tpu.sem_alloc : memref<!tpu.dma_semaphore, #tpu.memory_space<semaphore_mem>>
      %dma_start3A = arith.constant 0 : i32
      %dma_start3A_17 = tpu.memref_slice %arg7[%mul3A_6, %dma_start3A] : memref<10240x128xf32, #tpu.memory_space<vmem_shared>> -> memref<640x128xf32, #tpu.memory_space<vmem_shared>>
      %dma_start3A_18 = arith.constant 0 : i32
      %dma_start3A_19 = tpu.memref_slice %arg5[%mul3A_4, %dma_start3A_18] : memref<10240x128xf32, #tpu.memory_space<hbm>> -> memref<640x128xf32, #tpu.memory_space<hbm>>
      tpu.enqueue_dma source(%dma_start3A_19 : memref<640x128xf32, #tpu.memory_space<hbm>>) target(%dma_start3A_17 : memref<640x128xf32, #tpu.memory_space<vmem_shared>>) target_semaphore(%run_scoped3A : memref<!tpu.dma_semaphore, #tpu.memory_space<semaphore_mem>>)
      %dma_wait3A = arith.constant 0 : i32
      %dma_wait3A_20 = tpu.memref_slice %arg7[%mul3A_6, %dma_wait3A] : memref<10240x128xf32, #tpu.memory_space<vmem_shared>> -> memref<640x128xf32, #tpu.memory_space<vmem_shared>>
      %dma_wait3A_21 = arith.constant 0 : i32
      %dma_wait3A_22 = tpu.memref_slice %arg5[%mul3A_4, %dma_wait3A_21] : memref<10240x128xf32, #tpu.memory_space<hbm>> -> memref<640x128xf32, #tpu.memory_space<hbm>>
      tpu.wait_dma2 semaphore(%run_scoped3A : memref<!tpu.dma_semaphore, #tpu.memory_space<semaphore_mem>>) src(%dma_wait3A_22 : memref<640x128xf32, #tpu.memory_space<hbm>>) dst(%dma_wait3A_20 : memref<640x128xf32, #tpu.memory_space<vmem_shared>>)
      tpu.yield
    }) : () -> ()
    %barrier3A = arith.constant 0 : index
    tpu.barrier barrier_id(%barrier3A)
    %scan3A = arith.constant 0 : i32
    %scan3A_7 = arith.constant 0 : i32
    %scan3A_8 = arith.constant 2 : i32
    %scan3A_9 = arith.addi %scan3A_7, %scan3A_8 : i32
    %scan3A_10 = arith.constant 1 : i32
    scf.for %scan3A_17 = %scan3A_7 to %scan3A_9 step %scan3A_10  : i32 {
      %mul3A_18 = arith.constant 40 : i32
      %mul3A_19 = arith.muli %scan3A_17, %mul3A_18 : i32
      %add3A_20 = arith.addi %mul3A_2, %mul3A_19 : i32
      "tpu.region"() ({
        %run_scoped3A = tpu.sem_alloc : memref<!tpu.dma_semaphore, #tpu.memory_space<semaphore_mem>>
        %dma_start3A_35 = arith.constant 0 : i32
        %dma_start3A_36 = tpu.memref_slice %arg3[%add3A_20, %dma_start3A_35] : memref<2560x128xi32, #tpu.memory_space<hbm>> -> memref<40x128xi32, #tpu.memory_space<hbm>>
        %dma_start3A_37 = arith.constant 0 : i32
        %dma_start3A_38 = tpu.memref_slice %arg3[%add3A_20, %dma_start3A_37] : memref<2560x128xi32, #tpu.memory_space<hbm>> -> memref<40x128xi32, #tpu.memory_space<hbm>>
        tpu.enqueue_dma source(%dma_start3A_38 : memref<40x128xi32, #tpu.memory_space<hbm>>) target(%arg8 : memref<40x128xi32, #tpu.memory_space<vmem>>) target_semaphore(%run_scoped3A : memref<!tpu.dma_semaphore, #tpu.memory_space<semaphore_mem>>)
        %dma_wait3A = arith.constant 0 : i32
        %dma_wait3A_39 = tpu.memref_slice %arg3[%add3A_20, %dma_wait3A] : memref<2560x128xi32, #tpu.memory_space<hbm>> -> memref<40x128xi32, #tpu.memory_space<hbm>>
        %dma_wait3A_40 = arith.constant 0 : i32
        %dma_wait3A_41 = tpu.memref_slice %arg3[%add3A_20, %dma_wait3A_40] : memref<2560x128xi32, #tpu.memory_space<hbm>> -> memref<40x128xi32, #tpu.memory_space<hbm>>
        tpu.wait_dma2 semaphore(%run_scoped3A : memref<!tpu.dma_semaphore, #tpu.memory_space<semaphore_mem>>) src(%dma_wait3A_41 : memref<40x128xi32, #tpu.memory_space<hbm>>) dst(%arg8 : memref<40x128xi32, #tpu.memory_space<vmem>>)
        tpu.yield
      }) : () -> ()
      %mul3A_21 = arith.constant 40 : i32
      %mul3A_22 = arith.muli %scan3A_17, %mul3A_21 : i32
      %add3A_23 = arith.addi %mul3A_2, %mul3A_22 : i32
      "tpu.region"() ({
        %run_scoped3A = tpu.sem_alloc : memref<!tpu.dma_semaphore, #tpu.memory_space<semaphore_mem>>
        %dma_start3A_35 = arith.constant 0 : i32
        %dma_start3A_36 = tpu.memref_slice %arg4[%add3A_23, %dma_start3A_35] : memref<2560x128xi32, #tpu.memory_space<hbm>> -> memref<40x128xi32, #tpu.memory_space<hbm>>
        %dma_start3A_37 = arith.constant 0 : i32
        %dma_start3A_38 = tpu.memref_slice %arg4[%add3A_23, %dma_start3A_37] : memref<2560x128xi32, #tpu.memory_space<hbm>> -> memref<40x128xi32, #tpu.memory_space<hbm>>
        tpu.enqueue_dma source(%dma_start3A_38 : memref<40x128xi32, #tpu.memory_space<hbm>>) target(%arg9 : memref<40x128xi32, #tpu.memory_space<vmem>>) target_semaphore(%run_scoped3A : memref<!tpu.dma_semaphore, #tpu.memory_space<semaphore_mem>>)
        %dma_wait3A = arith.constant 0 : i32
        %dma_wait3A_39 = tpu.memref_slice %arg4[%add3A_23, %dma_wait3A] : memref<2560x128xi32, #tpu.memory_space<hbm>> -> memref<40x128xi32, #tpu.memory_space<hbm>>
        %dma_wait3A_40 = arith.constant 0 : i32
        %dma_wait3A_41 = tpu.memref_slice %arg4[%add3A_23, %dma_wait3A_40] : memref<2560x128xi32, #tpu.memory_space<hbm>> -> memref<40x128xi32, #tpu.memory_space<hbm>>
        tpu.wait_dma2 semaphore(%run_scoped3A : memref<!tpu.dma_semaphore, #tpu.memory_space<semaphore_mem>>) src(%dma_wait3A_41 : memref<40x128xi32, #tpu.memory_space<hbm>>) dst(%arg9 : memref<40x128xi32, #tpu.memory_space<vmem>>)
        tpu.yield
      }) : () -> ()
      %dma_start3A = arith.constant 0 : i32
      %dma_start3A_24 = arith.constant 0 : i32
      %dma_start3A_25 = tpu.memref_slice %arg8[%dma_start3A, %dma_start3A_24] : memref<40x128xi32, #tpu.memory_space<vmem>> -> memref<1x128xi32, #tpu.memory_space<vmem>>
      %dma_start3A_26 = tpu.memref_squeeze %dma_start3A_25 : memref<1x128xi32, #tpu.memory_space<vmem>> -> memref<128xi32, #tpu.memory_space<vmem>>
      %dma_start3A_27 = arith.constant 0 : i32
      %dma_start3A_28 = arith.constant 0 : i32
      %dma_start3A_29 = tpu.memref_slice %arg2[%dma_start3A_27, %dma_start3A_28] : memref<10240x128xf32, #tpu.memory_space<hbm>> -> memref<10240x128xf32, #tpu.memory_space<hbm>>
      tpu.enqueue_indirect_dma source(%dma_start3A_29 : memref<10240x128xf32, #tpu.memory_space<hbm>>) target(%arg10 : memref<128x128xf32, #tpu.memory_space<vmem>>) offsets(%dma_start3A_26 : memref<128xi32, #tpu.memory_space<vmem>>) semaphore(%arg12 : memref<!tpu.dma_semaphore, #tpu.memory_space<semaphore_mem>>)
      %scan3A_30 = arith.constant 0 : i32
      %scan3A_31 = arith.constant 20 : i32
      %scan3A_32 = arith.addi %scan3A_30, %scan3A_31 : i32
      %scan3A_33 = arith.constant 1 : i32
      scf.for %scan3A_35 = %scan3A_30 to %scan3A_32 step %scan3A_33  : i32 {
        %mul3A_36 = arith.constant 2 : i32
        %mul3A_37 = arith.muli %mul3A_36, %scan3A_35 : i32
        %add3A_38 = arith.constant 1 : i32
        %add3A_39 = arith.addi %mul3A_37, %add3A_38 : i32
        %dma_start3A_40 = arith.constant 0 : i32
        %dma_start3A_41 = tpu.memref_slice %arg8[%add3A_39, %dma_start3A_40] : memref<40x128xi32, #tpu.memory_space<vmem>> -> memref<1x128xi32, #tpu.memory_space<vmem>>
        %dma_start3A_42 = tpu.memref_squeeze %dma_start3A_41 : memref<1x128xi32, #tpu.memory_space<vmem>> -> memref<128xi32, #tpu.memory_space<vmem>>
        %dma_start3A_43 = arith.constant 0 : i32
        %dma_start3A_44 = arith.constant 0 : i32
        %dma_start3A_45 = tpu.memref_slice %arg2[%dma_start3A_43, %dma_start3A_44] : memref<10240x128xf32, #tpu.memory_space<hbm>> -> memref<10240x128xf32, #tpu.memory_space<hbm>>
        tpu.enqueue_indirect_dma source(%dma_start3A_45 : memref<10240x128xf32, #tpu.memory_space<hbm>>) target(%arg11 : memref<128x128xf32, #tpu.memory_space<vmem>>) offsets(%dma_start3A_42 : memref<128xi32, #tpu.memory_space<vmem>>) semaphore(%arg13 : memref<!tpu.dma_semaphore, #tpu.memory_space<semaphore_mem>>)
        %dma_wait3A = arith.constant 0 : i32
        %dma_wait3A_46 = tpu.memref_slice %arg8[%mul3A_37, %dma_wait3A] : memref<40x128xi32, #tpu.memory_space<vmem>> -> memref<1x128xi32, #tpu.memory_space<vmem>>
        %dma_wait3A_47 = tpu.memref_squeeze %dma_wait3A_46 : memref<1x128xi32, #tpu.memory_space<vmem>> -> memref<128xi32, #tpu.memory_space<vmem>>
        %dma_wait3A_48 = arith.constant 0 : i32
        %dma_wait3A_49 = arith.constant 0 : i32
        %dma_wait3A_50 = tpu.memref_slice %arg2[%dma_wait3A_48, %dma_wait3A_49] : memref<10240x128xf32, #tpu.memory_space<hbm>> -> memref<10240x128xf32, #tpu.memory_space<hbm>>
        tpu.wait_indirect_dma semaphore(%arg12 : memref<!tpu.dma_semaphore, #tpu.memory_space<semaphore_mem>>) src(%dma_wait3A_50 : memref<10240x128xf32, #tpu.memory_space<hbm>>) dst(%arg10 : memref<128x128xf32, #tpu.memory_space<vmem>>)
        "tpu.region"() ({
          %run_scoped3A = tpu.sem_alloc : memref<!tpu.dma_semaphore, #tpu.memory_space<semaphore_mem>>
          %dma_start3A_63 = arith.constant 0 : i32
          %dma_start3A_64 = tpu.memref_slice %arg9[%mul3A_37, %dma_start3A_63] : memref<40x128xi32, #tpu.memory_space<vmem>> -> memref<1x128xi32, #tpu.memory_space<vmem>>
          %dma_start3A_65 = tpu.memref_squeeze %dma_start3A_64 : memref<1x128xi32, #tpu.memory_space<vmem>> -> memref<128xi32, #tpu.memory_space<vmem>>
          %dma_start3A_66 = arith.constant 0 : i32
          %dma_start3A_67 = arith.constant 0 : i32
          %dma_start3A_68 = tpu.memref_slice %arg7[%dma_start3A_66, %dma_start3A_67] : memref<10240x128xf32, #tpu.memory_space<vmem_shared>> -> memref<10240x128xf32, #tpu.memory_space<vmem_shared>>
          tpu.enqueue_indirect_dma source(%arg10 : memref<128x128xf32, #tpu.memory_space<vmem>>) target(%dma_start3A_68 : memref<10240x128xf32, #tpu.memory_space<vmem_shared>>) offsets(%dma_start3A_65 : memref<128xi32, #tpu.memory_space<vmem>>) semaphore(%run_scoped3A : memref<!tpu.dma_semaphore, #tpu.memory_space<semaphore_mem>>) {add = true}
          %dma_wait3A_69 = arith.constant 0 : i32
          %dma_wait3A_70 = tpu.memref_slice %arg9[%mul3A_37, %dma_wait3A_69] : memref<40x128xi32, #tpu.memory_space<vmem>> -> memref<1x128xi32, #tpu.memory_space<vmem>>
          %dma_wait3A_71 = tpu.memref_squeeze %dma_wait3A_70 : memref<1x128xi32, #tpu.memory_space<vmem>> -> memref<128xi32, #tpu.memory_space<vmem>>
          %dma_wait3A_72 = arith.constant 0 : i32
          %dma_wait3A_73 = arith.constant 0 : i32
          %dma_wait3A_74 = tpu.memref_slice %arg7[%dma_wait3A_72, %dma_wait3A_73] : memref<10240x128xf32, #tpu.memory_space<vmem_shared>> -> memref<10240x128xf32, #tpu.memory_space<vmem_shared>>
          tpu.wait_indirect_dma semaphore(%run_scoped3A : memref<!tpu.dma_semaphore, #tpu.memory_space<semaphore_mem>>) src(%arg10 : memref<128x128xf32, #tpu.memory_space<vmem>>) dst(%dma_wait3A_74 : memref<10240x128xf32, #tpu.memory_space<vmem_shared>>)
          tpu.yield
        }) : () -> ()
        %lt3A = arith.constant 19 : i32
        %lt3A_51 = arith.cmpi slt, %scan3A_35, %lt3A : i32
        %convert_element_type3A = arith.extui %lt3A_51 : i1 to i32
        %cond3A = arith.constant 0 : i32
        %cond3A_52 = arith.cmpi ne, %convert_element_type3A, %cond3A : i32
        scf.if %cond3A_52 {
          %add3A_63 = arith.constant 2 : i32
          %add3A_64 = arith.addi %mul3A_37, %add3A_63 : i32
          %dma_start3A_65 = arith.constant 0 : i32
          %dma_start3A_66 = tpu.memref_slice %arg8[%add3A_64, %dma_start3A_65] : memref<40x128xi32, #tpu.memory_space<vmem>> -> memref<1x128xi32, #tpu.memory_space<vmem>>
          %dma_start3A_67 = tpu.memref_squeeze %dma_start3A_66 : memref<1x128xi32, #tpu.memory_space<vmem>> -> memref<128xi32, #tpu.memory_space<vmem>>
          %dma_start3A_68 = arith.constant 0 : i32
          %dma_start3A_69 = arith.constant 0 : i32
          %dma_start3A_70 = tpu.memref_slice %arg2[%dma_start3A_68, %dma_start3A_69] : memref<10240x128xf32, #tpu.memory_space<hbm>> -> memref<10240x128xf32, #tpu.memory_space<hbm>>
          tpu.enqueue_indirect_dma source(%dma_start3A_70 : memref<10240x128xf32, #tpu.memory_space<hbm>>) target(%arg10 : memref<128x128xf32, #tpu.memory_space<vmem>>) offsets(%dma_start3A_67 : memref<128xi32, #tpu.memory_space<vmem>>) semaphore(%arg12 : memref<!tpu.dma_semaphore, #tpu.memory_space<semaphore_mem>>)
        } else {
        }
        %add3A_53 = arith.constant 1 : i32
        %add3A_54 = arith.addi %mul3A_37, %add3A_53 : i32
        %dma_wait3A_55 = arith.constant 0 : i32
        %dma_wait3A_56 = tpu.memref_slice %arg8[%add3A_54, %dma_wait3A_55] : memref<40x128xi32, #tpu.memory_space<vmem>> -> memref<1x128xi32, #tpu.memory_space<vmem>>
        %dma_wait3A_57 = tpu.memref_squeeze %dma_wait3A_56 : memref<1x128xi32, #tpu.memory_space<vmem>> -> memref<128xi32, #tpu.memory_space<vmem>>
        %dma_wait3A_58 = arith.constant 0 : i32
        %dma_wait3A_59 = arith.constant 0 : i32
        %dma_wait3A_60 = tpu.memref_slice %arg2[%dma_wait3A_58, %dma_wait3A_59] : memref<10240x128xf32, #tpu.memory_space<hbm>> -> memref<10240x128xf32, #tpu.memory_space<hbm>>
        tpu.wait_indirect_dma semaphore(%arg13 : memref<!tpu.dma_semaphore, #tpu.memory_space<semaphore_mem>>) src(%dma_wait3A_60 : memref<10240x128xf32, #tpu.memory_space<hbm>>) dst(%arg11 : memref<128x128xf32, #tpu.memory_space<vmem>>)
        %add3A_61 = arith.constant 1 : i32
        %add3A_62 = arith.addi %mul3A_37, %add3A_61 : i32
        "tpu.region"() ({
          %run_scoped3A = tpu.sem_alloc : memref<!tpu.dma_semaphore, #tpu.memory_space<semaphore_mem>>
          %dma_start3A_63 = arith.constant 0 : i32
          %dma_start3A_64 = tpu.memref_slice %arg9[%add3A_62, %dma_start3A_63] : memref<40x128xi32, #tpu.memory_space<vmem>> -> memref<1x128xi32, #tpu.memory_space<vmem>>
          %dma_start3A_65 = tpu.memref_squeeze %dma_start3A_64 : memref<1x128xi32, #tpu.memory_space<vmem>> -> memref<128xi32, #tpu.memory_space<vmem>>
          %dma_start3A_66 = arith.constant 0 : i32
          %dma_start3A_67 = arith.constant 0 : i32
          %dma_start3A_68 = tpu.memref_slice %arg7[%dma_start3A_66, %dma_start3A_67] : memref<10240x128xf32, #tpu.memory_space<vmem_shared>> -> memref<10240x128xf32, #tpu.memory_space<vmem_shared>>
          tpu.enqueue_indirect_dma source(%arg11 : memref<128x128xf32, #tpu.memory_space<vmem>>) target(%dma_start3A_68 : memref<10240x128xf32, #tpu.memory_space<vmem_shared>>) offsets(%dma_start3A_65 : memref<128xi32, #tpu.memory_space<vmem>>) semaphore(%run_scoped3A : memref<!tpu.dma_semaphore, #tpu.memory_space<semaphore_mem>>) {add = true}
          %dma_wait3A_69 = arith.constant 0 : i32
          %dma_wait3A_70 = tpu.memref_slice %arg9[%add3A_62, %dma_wait3A_69] : memref<40x128xi32, #tpu.memory_space<vmem>> -> memref<1x128xi32, #tpu.memory_space<vmem>>
          %dma_wait3A_71 = tpu.memref_squeeze %dma_wait3A_70 : memref<1x128xi32, #tpu.memory_space<vmem>> -> memref<128xi32, #tpu.memory_space<vmem>>
          %dma_wait3A_72 = arith.constant 0 : i32
          %dma_wait3A_73 = arith.constant 0 : i32
          %dma_wait3A_74 = tpu.memref_slice %arg7[%dma_wait3A_72, %dma_wait3A_73] : memref<10240x128xf32, #tpu.memory_space<vmem_shared>> -> memref<10240x128xf32, #tpu.memory_space<vmem_shared>>
          tpu.wait_indirect_dma semaphore(%run_scoped3A : memref<!tpu.dma_semaphore, #tpu.memory_space<semaphore_mem>>) src(%arg11 : memref<128x128xf32, #tpu.memory_space<vmem>>) dst(%dma_wait3A_74 : memref<10240x128xf32, #tpu.memory_space<vmem_shared>>)
          tpu.yield
        }) : () -> ()
      }
      %scan3A_34 = arith.constant 20 : i32
    }
    %scan3A_11 = arith.constant 2 : i32
    %barrier3A_12 = arith.constant 0 : index
    tpu.barrier barrier_id(%barrier3A_12)
    %mul3A_13 = arith.constant 640 : i32
    %mul3A_14 = arith.muli %arg1, %mul3A_13 : i32
    %mul3A_15 = arith.constant 640 : i32
    %mul3A_16 = arith.muli %arg1, %mul3A_15 : i32
    "tpu.region"() ({
      %run_scoped3A = tpu.sem_alloc : memref<!tpu.dma_semaphore, #tpu.memory_space<semaphore_mem>>
      %dma_start3A = arith.constant 0 : i32
      %dma_start3A_17 = tpu.memref_slice %arg6[%arg0, %mul3A_16, %dma_start3A] : memref<2x10240x128xf32, #tpu.memory_space<hbm>> -> memref<1x640x128xf32, #tpu.memory_space<hbm>>
      %dma_start3A_18 = tpu.memref_squeeze %dma_start3A_17 : memref<1x640x128xf32, #tpu.memory_space<hbm>> -> memref<640x128xf32, #tpu.memory_space<hbm>>
      %dma_start3A_19 = arith.constant 0 : i32
      %dma_start3A_20 = tpu.memref_slice %arg7[%mul3A_14, %dma_start3A_19] : memref<10240x128xf32, #tpu.memory_space<vmem_shared>> -> memref<640x128xf32, #tpu.memory_space<vmem_shared>>
      tpu.enqueue_dma source(%dma_start3A_20 : memref<640x128xf32, #tpu.memory_space<vmem_shared>>) target(%dma_start3A_18 : memref<640x128xf32, #tpu.memory_space<hbm>>) target_semaphore(%run_scoped3A : memref<!tpu.dma_semaphore, #tpu.memory_space<semaphore_mem>>)
      %dma_wait3A = arith.constant 0 : i32
      %dma_wait3A_21 = tpu.memref_slice %arg6[%arg0, %mul3A_16, %dma_wait3A] : memref<2x10240x128xf32, #tpu.memory_space<hbm>> -> memref<1x640x128xf32, #tpu.memory_space<hbm>>
      %dma_wait3A_22 = tpu.memref_squeeze %dma_wait3A_21 : memref<1x640x128xf32, #tpu.memory_space<hbm>> -> memref<640x128xf32, #tpu.memory_space<hbm>>
      %dma_wait3A_23 = arith.constant 0 : i32
      %dma_wait3A_24 = tpu.memref_slice %arg7[%mul3A_14, %dma_wait3A_23] : memref<10240x128xf32, #tpu.memory_space<vmem_shared>> -> memref<640x128xf32, #tpu.memory_space<vmem_shared>>
      tpu.wait_dma2 semaphore(%run_scoped3A : memref<!tpu.dma_semaphore, #tpu.memory_space<semaphore_mem>>) src(%dma_wait3A_24 : memref<640x128xf32, #tpu.memory_space<vmem_shared>>) dst(%dma_wait3A_22 : memref<640x128xf32, #tpu.memory_space<hbm>>)
      tpu.yield
    }) : () -> ()
    return
  }
}

module attributes {stable_mosaic.version = 14 : i64} {
  func.func @_tc_prep_body(%arg0: i32, %arg1: memref<1024x128xf32, #tpu.memory_space<vmem>>, %arg2: memref<1024x128xf32, #tpu.memory_space<vmem>>, %arg3: memref<1024x128xf32, #tpu.memory_space<vmem>>, %arg4: memref<1024x128xf32, #tpu.memory_space<vmem>>) attributes {dimension_semantics = [#tpu.dimension_semantics<arbitrary>], iteration_bounds = array<i64: 10>, scalar_prefetch = 0 : i64, scratch_operands = 0 : i64, tpu.core_type = #tpu.core_type<tc>, window_params = [{transform_indices = @transform_0, window_bounds = array<i64: 1024, 128>}, {transform_indices = @transform_1, window_bounds = array<i64: 1024, 128>}, {transform_indices = @transform_2, window_bounds = array<i64: 1024, 128>}, {transform_indices = @transform_3, window_bounds = array<i64: 1024, 128>}]} {
    %get3A = arith.constant 0 : index
    %get3A_0 = arith.constant 0 : index
    %get3A_1 = vector.load %arg1[%get3A, %get3A_0] : memref<1024x128xf32, #tpu.memory_space<vmem>>, vector<1024x128xf32>
    %add3A = arith.constant 1.000000e+00 : f32
    %add3A_2 = vector.broadcast %add3A : f32 to vector<1024x128xf32>
    %add3A_3 = arith.addf %get3A_1, %add3A_2 : vector<1024x128xf32>
    %mul3A = arith.constant 1024 : i32
    %mul3A_4 = arith.muli %arg0, %mul3A : i32
    %iota3A = tpu.iota {dimensions = array<i32: 0>} : vector<1024x128xi32>
    %add3A_5 = vector.broadcast %mul3A_4 : i32 to vector<1024x128xi32>
    %add3A_6 = arith.addi %add3A_5, %iota3A : vector<1024x128xi32>
    %lt3A = arith.constant 10000 : i32
    %lt3A_7 = vector.broadcast %lt3A : i32 to vector<1024x128xi32>
    %lt3A_8 = arith.cmpi slt, %add3A_6, %lt3A_7 : vector<1024x128xi32>
    %rsqrt3A = math.rsqrt %add3A_3 : vector<1024x128xf32>
    %jit3A = arith.constant 0.000000e+00 : f32
    %broadcast_in_dim3A = vector.broadcast %jit3A : f32 to vector<1024x128xf32>
    %select_n3A = arith.select %lt3A_8, %rsqrt3A, %broadcast_in_dim3A : vector<1024x128xi1>, vector<1024x128xf32>
    %swap3A = arith.constant 0 : index
    %swap3A_9 = arith.constant 0 : index
    %swap3A_10 = vector.load %arg4[%swap3A, %swap3A_9] : memref<1024x128xf32, #tpu.memory_space<vmem>>, vector<1024x128xf32>
    tpu.vector_store %arg4[%swap3A, %swap3A_9], %select_n3A {strides = array<i32>} : memref<1024x128xf32, #tpu.memory_space<vmem>>, vector<1024x128xf32>,
    %get3A_11 = arith.constant 0 : index
    %get3A_12 = arith.constant 0 : index
    %get3A_13 = vector.load %arg2[%get3A_11, %get3A_12] : memref<1024x128xf32, #tpu.memory_space<vmem>>, vector<1024x128xf32>
    %mul3A_14 = arith.mulf %get3A_13, %select_n3A : vector<1024x128xf32>
    %swap3A_15 = arith.constant 0 : index
    %swap3A_16 = arith.constant 0 : index
    %swap3A_17 = vector.load %arg3[%swap3A_15, %swap3A_16] : memref<1024x128xf32, #tpu.memory_space<vmem>>, vector<1024x128xf32>
    tpu.vector_store %arg3[%swap3A_15, %swap3A_16], %mul3A_14 {strides = array<i32>} : memref<1024x128xf32, #tpu.memory_space<vmem>>, vector<1024x128xf32>,
    return
  }
  func.func @transform_0(%arg0: i32) -> (i32, i32) {
    %c0_i32 = arith.constant 0 : i32
    %c0_i32_0 = arith.constant 0 : i32
    return %arg0, %c0_i32 : i32, i32
  }
  func.func @transform_1(%arg0: i32) -> (i32, i32) {
    %c0_i32 = arith.constant 0 : i32
    %c0_i32_0 = arith.constant 0 : i32
    return %arg0, %c0_i32 : i32, i32
  }
  func.func @transform_2(%arg0: i32) -> (i32, i32) {
    %c0_i32 = arith.constant 0 : i32
    %c0_i32_0 = arith.constant 0 : i32
    return %arg0, %c0_i32 : i32, i32
  }
  func.func @transform_3(%arg0: i32) -> (i32, i32) {
    %c0_i32 = arith.constant 0 : i32
    %c0_i32_0 = arith.constant 0 : i32
    return %arg0, %c0_i32 : i32, i32
  }
}

module attributes {stable_mosaic.version = 14 : i64} {
  func.func @_tc_mid_body(%arg0: i32, %arg1: memref<2x1024x128xf32, #tpu.memory_space<vmem>>, %arg2: memref<1024x128xf32, #tpu.memory_space<vmem>>, %arg3: memref<1024x128xf32, #tpu.memory_space<vmem>>, %arg4: memref<128x1000xf32, #tpu.memory_space<vmem>>, %arg5: memref<1x1000xf32, #tpu.memory_space<vmem>>, %arg6: memref<1000x128xf32, #tpu.memory_space<vmem>>, %arg7: memref<1024x128xf32, #tpu.memory_space<vmem>>) attributes {dimension_semantics = [#tpu.dimension_semantics<arbitrary>], iteration_bounds = array<i64: 10>, scalar_prefetch = 0 : i64, scratch_operands = 0 : i64, tpu.core_type = #tpu.core_type<tc>, window_params = [{transform_indices = @transform_0, window_bounds = array<i64: 2, 1024, 128>}, {transform_indices = @transform_1, window_bounds = array<i64: 1024, 128>}, {transform_indices = @transform_2, window_bounds = array<i64: 1024, 128>}, {pipeline_mode = #tpu.pipeline_mode<synchronous>, transform_indices = @transform_3, window_bounds = array<i64: 128, 1000>}, {pipeline_mode = #tpu.pipeline_mode<synchronous>, transform_indices = @transform_4, window_bounds = array<i64: 1, 1000>}, {pipeline_mode = #tpu.pipeline_mode<synchronous>, transform_indices = @transform_5, window_bounds = array<i64: 1000, 128>}, {transform_indices = @transform_6, window_bounds = array<i64: 1024, 128>}]} {
    %get3A = arith.constant 0 : index
    %get3A_0 = arith.constant 0 : index
    %get3A_1 = vector.load %arg3[%get3A, %get3A_0] : memref<1024x128xf32, #tpu.memory_space<vmem>>, vector<1024x128xf32>
    %get3A_2 = arith.constant 0 : index
    %get3A_3 = arith.constant 0 : index
    %get3A_4 = arith.constant 0 : index
    %get3A_5 = vector.load %arg1[%get3A_2, %get3A_3, %get3A_4] : memref<2x1024x128xf32, #tpu.memory_space<vmem>>, vector<1x1024x128xf32>
    %get3A_6 = vector.shape_cast %get3A_5 : vector<1x1024x128xf32> to vector<1024x128xf32>
    %get3A_7 = arith.constant 1 : index
    %get3A_8 = arith.constant 0 : index
    %get3A_9 = arith.constant 0 : index
    %get3A_10 = vector.load %arg1[%get3A_7, %get3A_8, %get3A_9] : memref<2x1024x128xf32, #tpu.memory_space<vmem>>, vector<1x1024x128xf32>
    %get3A_11 = vector.shape_cast %get3A_10 : vector<1x1024x128xf32> to vector<1024x128xf32>
    %add3A = arith.addf %get3A_6, %get3A_11 : vector<1024x128xf32>
    %get3A_12 = arith.constant 0 : index
    %get3A_13 = arith.constant 0 : index
    %get3A_14 = vector.load %arg2[%get3A_12, %get3A_13] : memref<1024x128xf32, #tpu.memory_space<vmem>>, vector<1024x128xf32>
    %add3A_15 = arith.addf %add3A, %get3A_14 : vector<1024x128xf32>
    %mul3A = arith.mulf %get3A_1, %add3A_15 : vector<1024x128xf32>
    %get3A_16 = arith.constant 0 : index
    %get3A_17 = arith.constant 0 : index
    %get3A_18 = vector.load %arg4[%get3A_16, %get3A_17] : memref<128x1000xf32, #tpu.memory_space<vmem>>, vector<128x1000xf32>
    %dot_general3A = arith.constant dense<0.000000e+00> : vector<1024x1000xf32>
    %dot_general3A_19 = tpu.matmul %mul3A, %get3A_18, %dot_general3A {dimension_numbers = #tpu.dot_dimension_numbers<[1], [0], [0], [1], [0, 0, 1, 1], [], []>, transpose_lhs_hint = false} : vector<1024x128xf32>, vector<128x1000xf32>, vector<1024x1000xf32> -> vector<1024x1000xf32>
    %get3A_20 = arith.constant 0 : index
    %get3A_21 = arith.constant 0 : index
    %get3A_22 = vector.load %arg5[%get3A_20, %get3A_21] : memref<1x1000xf32, #tpu.memory_space<vmem>>, vector<1x1000xf32>
    %add3A_23 = vector.broadcast %get3A_22 : vector<1x1000xf32> to vector<1024x1000xf32>
    %add3A_24 = arith.addf %dot_general3A_19, %add3A_23 : vector<1024x1000xf32>
    %max3A = arith.constant 0.000000e+00 : f32
    %max3A_25 = vector.broadcast %max3A : f32 to vector<1024x1000xf32>
    %max3A_26 = arith.maximumf %add3A_24, %max3A_25 : vector<1024x1000xf32>
    %get3A_27 = arith.constant 0 : index
    %get3A_28 = arith.constant 0 : index
    %get3A_29 = vector.load %arg3[%get3A_27, %get3A_28] : memref<1024x128xf32, #tpu.memory_space<vmem>>, vector<1024x128xf32>
    %get3A_30 = arith.constant 0 : index
    %get3A_31 = arith.constant 0 : index
    %get3A_32 = vector.load %arg6[%get3A_30, %get3A_31] : memref<1000x128xf32, #tpu.memory_space<vmem>>, vector<1000x128xf32>
    %dot_general3A_33 = arith.constant dense<0.000000e+00> : vector<1024x128xf32>
    %dot_general3A_34 = tpu.matmul %max3A_26, %get3A_32, %dot_general3A_33 {dimension_numbers = #tpu.dot_dimension_numbers<[1], [0], [0], [1], [0, 0, 1, 1], [], []>, transpose_lhs_hint = false} : vector<1024x1000xf32>, vector<1000x128xf32>, vector<1024x128xf32> -> vector<1024x128xf32>
    %mul3A_35 = arith.mulf %get3A_29, %dot_general3A_34 : vector<1024x128xf32>
    %swap3A = arith.constant 0 : index
    %swap3A_36 = arith.constant 0 : index
    %swap3A_37 = vector.load %arg7[%swap3A, %swap3A_36] : memref<1024x128xf32, #tpu.memory_space<vmem>>, vector<1024x128xf32>
    tpu.vector_store %arg7[%swap3A, %swap3A_36], %mul3A_35 {strides = array<i32>} : memref<1024x128xf32, #tpu.memory_space<vmem>>, vector<1024x128xf32>,
    return
  }
  func.func @transform_0(%arg0: i32) -> (i32, i32, i32) {
    %c0_i32 = arith.constant 0 : i32
    %c0_i32_0 = arith.constant 0 : i32
    %c0_i32_1 = arith.constant 0 : i32
    return %c0_i32, %arg0, %c0_i32_0 : i32, i32, i32
  }
  func.func @transform_1(%arg0: i32) -> (i32, i32) {
    %c0_i32 = arith.constant 0 : i32
    %c0_i32_0 = arith.constant 0 : i32
    return %arg0, %c0_i32 : i32, i32
  }
  func.func @transform_2(%arg0: i32) -> (i32, i32) {
    %c0_i32 = arith.constant 0 : i32
    %c0_i32_0 = arith.constant 0 : i32
    return %arg0, %c0_i32 : i32, i32
  }
  func.func @transform_3(%arg0: i32) -> (i32, i32) {
    %c0_i32 = arith.constant 0 : i32
    %c0_i32_0 = arith.constant 0 : i32
    %c0_i32_1 = arith.constant 0 : i32
    return %c0_i32, %c0_i32_0 : i32, i32
  }
  func.func @transform_4(%arg0: i32) -> (i32, i32) {
    %c0_i32 = arith.constant 0 : i32
    %c0_i32_0 = arith.constant 0 : i32
    %c0_i32_1 = arith.constant 0 : i32
    return %c0_i32, %c0_i32_0 : i32, i32
  }
  func.func @transform_5(%arg0: i32) -> (i32, i32) {
    %c0_i32 = arith.constant 0 : i32
    %c0_i32_0 = arith.constant 0 : i32
    %c0_i32_1 = arith.constant 0 : i32
    return %c0_i32, %c0_i32_0 : i32, i32
  }
  func.func @transform_6(%arg0: i32) -> (i32, i32) {
    %c0_i32 = arith.constant 0 : i32
    %c0_i32_0 = arith.constant 0 : i32
    return %arg0, %c0_i32 : i32, i32
  }
}

module attributes {stable_mosaic.version = 14 : i64} {
  func.func @_tc_fin_body(%arg0: i32, %arg1: memref<2x1024x128xf32, #tpu.memory_space<vmem>>, %arg2: memref<1024x128xf32, #tpu.memory_space<vmem>>, %arg3: memref<1024x128xf32, #tpu.memory_space<vmem>>, %arg4: memref<1x128xf32, #tpu.memory_space<vmem>>, %arg5: memref<1024x128xf32, #tpu.memory_space<vmem>>) attributes {dimension_semantics = [#tpu.dimension_semantics<arbitrary>], iteration_bounds = array<i64: 10>, scalar_prefetch = 0 : i64, scratch_operands = 0 : i64, tpu.core_type = #tpu.core_type<tc>, window_params = [{transform_indices = @transform_0, window_bounds = array<i64: 2, 1024, 128>}, {transform_indices = @transform_1, window_bounds = array<i64: 1024, 128>}, {transform_indices = @transform_2, window_bounds = array<i64: 1024, 128>}, {pipeline_mode = #tpu.pipeline_mode<synchronous>, transform_indices = @transform_3, window_bounds = array<i64: 1, 128>}, {transform_indices = @transform_4, window_bounds = array<i64: 1024, 128>}]} {
    %get3A = arith.constant 0 : index
    %get3A_0 = arith.constant 0 : index
    %get3A_1 = vector.load %arg3[%get3A, %get3A_0] : memref<1024x128xf32, #tpu.memory_space<vmem>>, vector<1024x128xf32>
    %get3A_2 = arith.constant 0 : index
    %get3A_3 = arith.constant 0 : index
    %get3A_4 = arith.constant 0 : index
    %get3A_5 = vector.load %arg1[%get3A_2, %get3A_3, %get3A_4] : memref<2x1024x128xf32, #tpu.memory_space<vmem>>, vector<1x1024x128xf32>
    %get3A_6 = vector.shape_cast %get3A_5 : vector<1x1024x128xf32> to vector<1024x128xf32>
    %get3A_7 = arith.constant 1 : index
    %get3A_8 = arith.constant 0 : index
    %get3A_9 = arith.constant 0 : index
    %get3A_10 = vector.load %arg1[%get3A_7, %get3A_8, %get3A_9] : memref<2x1024x128xf32, #tpu.memory_space<vmem>>, vector<1x1024x128xf32>
    %get3A_11 = vector.shape_cast %get3A_10 : vector<1x1024x128xf32> to vector<1024x128xf32>
    %add3A = arith.addf %get3A_6, %get3A_11 : vector<1024x128xf32>
    %get3A_12 = arith.constant 0 : index
    %get3A_13 = arith.constant 0 : index
    %get3A_14 = vector.load %arg2[%get3A_12, %get3A_13] : memref<1024x128xf32, #tpu.memory_space<vmem>>, vector<1024x128xf32>
    %add3A_15 = arith.addf %add3A, %get3A_14 : vector<1024x128xf32>
    %mul3A = arith.mulf %get3A_1, %add3A_15 : vector<1024x128xf32>
    %get3A_16 = arith.constant 0 : index
    %get3A_17 = arith.constant 0 : index
    %get3A_18 = vector.load %arg4[%get3A_16, %get3A_17] : memref<1x128xf32, #tpu.memory_space<vmem>>, vector<1x128xf32>
    %add3A_19 = vector.broadcast %get3A_18 : vector<1x128xf32> to vector<1024x128xf32>
    %add3A_20 = arith.addf %mul3A, %add3A_19 : vector<1024x128xf32>
    %swap3A = arith.constant 0 : index
    %swap3A_21 = arith.constant 0 : index
    %swap3A_22 = vector.load %arg5[%swap3A, %swap3A_21] : memref<1024x128xf32, #tpu.memory_space<vmem>>, vector<1024x128xf32>
    tpu.vector_store %arg5[%swap3A, %swap3A_21], %add3A_20 {strides = array<i32>} : memref<1024x128xf32, #tpu.memory_space<vmem>>, vector<1024x128xf32>,
    return
  }
  func.func @transform_0(%arg0: i32) -> (i32, i32, i32) {
    %c0_i32 = arith.constant 0 : i32
    %c0_i32_0 = arith.constant 0 : i32
    %c0_i32_1 = arith.constant 0 : i32
    return %c0_i32, %arg0, %c0_i32_0 : i32, i32, i32
  }
  func.func @transform_1(%arg0: i32) -> (i32, i32) {
    %c0_i32 = arith.constant 0 : i32
    %c0_i32_0 = arith.constant 0 : i32
    return %arg0, %c0_i32 : i32, i32
  }
  func.func @transform_2(%arg0: i32) -> (i32, i32) {
    %c0_i32 = arith.constant 0 : i32
    %c0_i32_0 = arith.constant 0 : i32
    return %arg0, %c0_i32 : i32, i32
  }
  func.func @transform_3(%arg0: i32) -> (i32, i32) {
    %c0_i32 = arith.constant 0 : i32
    %c0_i32_0 = arith.constant 0 : i32
    %c0_i32_1 = arith.constant 0 : i32
    return %c0_i32, %c0_i32_0 : i32, i32
  }
  func.func @transform_4(%arg0: i32) -> (i32, i32) {
    %c0_i32 = arith.constant 0 : i32
    %c0_i32_0 = arith.constant 0 : i32
    return %arg0, %c0_i32 : i32, i32
  }
}

</mosaic_0001>

<sc_bundles>
// kernel: kernel.11.cloned.1.call-start
scs
__scs_entry_jumppad:
0x0: {  	(pc) =	sbr.rel $0x88, $3  }
0x1: {  	(tag) =	ssettag $0x0;
	lr =	simm.s32 $0x1  }
0x2: {  	[smem:$0x3F9B] =	sst lr;
	_ =	strace $0xD0000000  }
0x3: {  	_ = 	snop  }
0x4: {  	_ = 	snop  }
0x5: {  	_ = 	snop  }
0x6: {  	_ = 	snop  }
0x7: {  	_ = 	snop  }
__scs_overlays_trampoline_lowered:
0x8: {  	[smem:$0x3FAA] =	sst s0  }
0x9: {  	[smem:$0x3FAB] =	sst s1  }
0xa: {  	[smem:$0x3FAC] =	sst s2  }
0xb: {  	[smem:$0x3FAD] =	sst s3  }
0xc: {  	[smem:$0x3FAE] =	sst s4  }
0xd: {  	[smem:$0x3FAF] =	sst s5  }
0xe: {  	[smem:$0x3FB0] =	sst s6  }
0xf: {  	[smem:$0x3FB1] =	sst s7  }
0x10: {  	[smem:$0x3FB2] =	sst s8  }
0x11: {  	[smem:$0x3FB3] =	sst s9;
	s0 =	simm.s32 @!p0 $0x0  }
0x12: {  	s1 =	sld [smem:$0x3F99];
	s0 =	simm.s32 @p0 $0x1  }
0x13: {  	[smem:$0x3FB4] =	sst s0;
	s0 =	simm.s32 @!p1 $0x0  }
0x14: {  	s2 =	sld [smem:$0x3F98];
	s0 =	simm.s32 @p1 $0x1  }
0x15: {  	[smem:$0x3FB5] =	sst s0;
	s0 =	simm.s32 @!p2 $0x0  }
0x16: {  	s3 =	sld [smem:$0x3FDB];
	s0 =	simm.s32 @p2 $0x1  }
0x17: {  	s4 =	simm.s32 $0x1BF5;
	[smem:$0x3FB7] =	sst s0  }
0x18: {  	s0 =	sld [smem:$0x3F9A];
	_ =	swait.ge [sflag:s4], $0x0  }
0x19: {  	s7 =	sld [smem:$0x3F9B]  }
0x1a: {  	s8 =	sadd.s32 $0xFFFFE003, lr  }
0x1b: {  	s9 =	sadd.s32 $0xFFFFFEF7, lr;
	s5 =	simm.s32 $0xFFFFFFFF;
	p2 =	slt.u32 s8, $0xFFFFF086  }
0x1c: {  	p1 =	slt.u32 s9, $0xF7A;
	s5 =	simm.s32 @!p2 $0x0  }
0x1d: {  	s5 =	simm.s32 @p1 $0x1;
	p0 =	seq.s32 s7, s2  }
0x1e: {  	s7 =	smul.u32 @!p0 $0xF7A, s2;
	p2 =	seq.s32 @!p0 s5, $0x0  }
0x1f: {  	s9 =	smul.u32 $0xF7A, s1;
	s8 =	simm.s32 @!p0 $0x1BF5;
	p2 =	por !p2, p0  }
0x20: {  	[sflag:s8] =	ssyncset.s32 @!p0 $0xFFFFF086;
	s6 =	sadd.s32 @!p0 s3, s7;
	s7 =	simm.s32 @!p0 $0x108  }
0x21: {  	s3 =	sadd.s32 s3, s9;
	s6 =	sadd.s32 @!p0 $0x88, s6;
	s7 =	simm.s32 @p2 $0x1082  }
0x22: {  	[simem:s7], [sflag:s8] =	dma.local @!p0 [hbm:s6], $0xF7A  }
0x23: {  	s9 =	sor.u32 $0xD0000000, s2;
	s6 =	simm.s32 $0x108;
	_ =	swait.ge @!p0 [sflag:s8], $0x0  }
0x24: {  	s3 =	sadd.s32 $0x88, s3;
	s6 =	simm.s32 @!p1 $0x1082;
	[sflag:s4] =	ssyncset.s32 $0xFFFFF086  }
0x25: {  	[simem:s6], [sflag:s4] =	dma.local [hbm:s3], $0xF7A  }
0x26: {  	[smem:$0x3F9B] =	sst s1;
	(tag) =	ssettag s2;
	_ =	strace s9  }
0x27: {  	s1 =	sld [smem:$0x3FAB]  }
0x28: {  	s2 =	sld [smem:$0x3FAC]  }
0x29: {  	s4 =	sld [smem:$0x3FAE]  }
0x2a: {  	p0 =	seq.s32 s5, $0x0;
	s5 =	sld [smem:$0x3FAF]  }
0x2b: {  	s6 =	sld [smem:$0x3FB0]  }
0x2c: {  	s7 =	sld [smem:$0x3FB1]  }
0x2d: {  	s3 =	simm.s32 $0x108;
	s8 =	sld [smem:$0x3FB2]  }
0x2e: {  	s3 =	simm.s32 @!p0 $0x1082;
	s9 =	sld [smem:$0x3FB3]  }
0x2f: {  	lr =	sadd.s32 s0, s3;
	s0 =	sld [smem:$0x3FAA]  }
0x30: {  	s3 =	sld [smem:$0x3FAD]  }
0x31: {  	[smem:$0x3FB6] =	sst s10  }
0x32: {  	s10 =	sld [smem:$0x3FB4];
	_ =	sdelay $0x3  }
0x33: {  	p0 =	seq.s32 s10, $0x1;
	s10 =	sld [smem:$0x3FB6];
	_ =	sdelay $0x3  }
0x34: {  	[smem:$0x3FB6] =	sst s10  }
0x35: {  	s10 =	sld [smem:$0x3FB5];
	_ =	sdelay $0x3  }
0x36: {  	p1 =	seq.s32 s10, $0x1;
	s10 =	sld [smem:$0x3FB6];
	_ =	sdelay $0x3  }
0x37: {  	[smem:$0x3FB6] =	sst s10  }
0x38: {  	s10 =	sld [smem:$0x3FB7]  }
0x39: {  	_ = 	snop;
	(pc) =	sbr.ind lr, $3  }
0x3a: {  	_ = 	snop  }
0x3b: {  	_ = 	snop  }
0x3c: {  	p2 =	seq.s32 s10, $0x1;
	s10 =	sld [smem:$0x3FB6]  }
0x3d: {  	_ =	shalt  }
0x3e: {  	_ =	shalt  }
0x3f: {  	_ =	shalt  }
0x40: {  	_ =	shalt  }
0x41: {  	_ =	shalt  }
0x42: {  	_ =	shalt  }
0x43: {  	_ =	shalt  }
0x44: {  	_ =	shalt  }
0x45: {  	_ =	shalt  }
0x46: {  	_ =	shalt  }
0x47: {  	_ =	shalt  }
0x48: {  	_ =	shalt  }
0x49: {  	_ =	shalt  }
0x4a: {  	_ =	shalt  }
0x4b: {  	_ =	shalt  }
0x4c: {  	_ =	shalt  }
0x4d: {  	_ =	shalt  }
0x4e: {  	_ =	shalt  }
0x4f: {  	_ =	shalt  }
0x50: {  	_ =	shalt  }
0x51: {  	_ =	shalt  }
0x52: {  	_ =	shalt  }
0x53: {  	_ =	shalt  }
0x54: {  	_ =	shalt  }
0x55: {  	_ =	shalt  }
0x56: {  	_ =	shalt  }
0x57: {  	_ =	shalt  }
0x58: {  	_ =	shalt  }
0x59: {  	_ =	shalt  }
0x5a: {  	_ =	shalt  }
0x5b: {  	_ =	shalt  }
0x5c: {  	_ =	shalt  }
0x5d: {  	_ =	shalt  }
0x5e: {  	_ =	shalt  }
0x5f: {  	_ =	shalt  }
0x60: {  	_ =	shalt  }
0x61: {  	_ =	shalt  }
0x62: {  	_ =	shalt  }
0x63: {  	_ =	shalt  }
0x64: {  	_ =	shalt  }
0x65: {  	_ =	shalt  }
0x66: {  	_ =	shalt  }
0x67: {  	_ =	shalt  }
0x68: {  	_ =	shalt  }
0x69: {  	_ =	shalt  }
0x6a: {  	_ =	shalt  }
0x6b: {  	_ =	shalt  }
0x6c: {  	_ =	shalt  }
0x6d: {  	_ =	shalt  }
0x6e: {  	_ =	shalt  }
0x6f: {  	_ =	shalt  }
0x70: {  	_ =	shalt  }
0x71: {  	_ =	shalt  }
0x72: {  	_ =	shalt  }
0x73: {  	_ =	shalt  }
0x74: {  	_ =	shalt  }
0x75: {  	_ =	shalt  }
0x76: {  	_ =	shalt  }
0x77: {  	_ =	shalt  }
0x78: {  	_ =	shalt  }
0x79: {  	_ =	shalt  }
0x7a: {  	_ =	shalt  }
0x7b: {  	_ =	shalt  }
0x7c: {  	_ =	shalt  }
0x7d: {  	_ =	shalt  }
0x7e: {  	_ =	shalt  }
0x7f: {  	_ =	shalt  }
0x80: {  	_ =	shalt  }
0x81: {  	_ =	shalt  }
0x82: {  	_ =	shalt  }
0x83: {  	_ =	shalt  }
0x84: {  	_ =	shalt  }
0x85: {  	_ =	shalt  }
0x86: {  	_ =	shalt  }
0x87: {  	_ =	shalt  }
.Lfunc_end0:
.L_simem_size_0:
called_computation.1_lowered:
.L_overlay_start_0:
0x88: {  	s2 =	sld [smem:$0x3FD9]  }
0x89: {  	s3 =	sld [smem:$0x3FFE];
	_ =	sdelay $0x1  }
0x8a: {  	s1 =	srdreg.scid  }
0x8b: {  	s0 =	sand.u32 $0x1, s1  }
0x8c: {  	s17 =	sshll.u32 s0, $0xA;
	s2 =	sadd.s32 s3, s2  }
0x8d: {  	s2 =	sadd.s32 s2, s17  }
0x8e: {  	[smem:$0x3FC2] =	sst s2  }
0x8f: {  	_ = 	snop  }
0x90: {  	s2 =	sld [smem:$0x3FD0];
	(tm) =	ssettm $0x1  }
0x91: {  	s18 =	sld [smem:$0x3FFB];
	_ =	sdelay $0x3  }
0x92: {  	_ =	strace s18  }
0x93: {  	s3 =	sld [smem:$0x3FFC];
	_ =	sdelay $0x3  }
0x94: {  	_ =	strace s3  }
0x95: {  	s3 =	sld [smem:$0x3FFD];
	_ =	sdelay $0x3  }
0x96: {  	_ =	strace s3  }
0x97: {  	_ =	strace $0x8FFFFFFF  }
0x98: {  	s19 =	sld [smem:$0x3FDB];
	_ =	sdelay $0x1  }
0x99: {  	s4 =	simm.s32 $_scs_section_size  }
0x9a: {  	s5 =	simm.s32 $_size__tile_overlayer_lowered;
	s6 =	simm.s32 $_tile_overlayer_lowered  }
0x9b: {  	s22 =	simm.s32 $0x1BFF;
	s21 =	sshll.u32 s6, $0x1;
	s3 =	sadd.s32 s4, s19  }
0x9c: {  	s7 =	simm.s32 $0x0;
	s20 =	sshll.u32 s5, $0x1;
	s5 =	sadd.s32 s21, s3  }
0x9d: {  	[timem:s7], [sflag:s22] =	dma.local [hbm:s5], s20  }
0x9e: {  	_ =	swait.ge [sflag:s22], s20  }
0x9f: {  	s4 =	ssub.s32 $0x0, s20;
	[sflag:s22] =	ssyncset.done $0x0  }
0xa0: {  	[sflag:s22] =	ssyncadd.s32 s4;
	_ =	sdelay $0x1  }
0xa1: {  	s23 =	simm.s32 $0x1B8B  }
0xa2: {  	_ =	swait.ge [sflag:s23], $0x1  }
0xa3: {  	[sflag:s23] =	ssyncset.done $0x0  }
0xa4: {  	s25 =	simm.s32 $0x1B8E;
	s24 =	sld [smem:$0x3FFE];
	[sflag:s23] =	ssyncadd.s32 $0xFFFFFFFF  }
0xa5: {  	s26 =	simm.s32 $execute0_lowered;
	[smem:$0x3FD2] =	sst s25  }
0xa6: {  	s5 =	sshll.u32 s26, $0x1;
	_ =	strace $0x80000049;
	[dreg:$0x1] =	wrdreg $0xFFFFFFFF  }
0xa7: {  	s28 =	simm.s32 $_size_execute0_lowered;
	s3 =	sadd.s32 s3, s5;
	[dreg:$0x0] =	wrdreg $0x0  }
0xa8: {  	s5 =	sshll.u32 s28, $0x1;
	[dreg:$0x2] =	wrdreg s3  }
0xa9: {  	[dreg:$0x3] =	wrdreg s5  }
0xaa: {  	[dreg:$0x4] =	wrdreg $0xC0  }
0xab: {  	_ =	task [dreg:s7], $0x5FFFF  }
0xac: {  	[dreg:$0x1] =	wrdreg $0xFFFFFFFF  }
0xad: {  	[dreg:$0x0] =	wrdreg $0x60  }
0xae: {  	[dreg:$0x2] =	wrdreg s24  }
0xaf: {  	[dreg:$0x3] =	wrdreg s2  }
0xb0: {  	[dreg:$0x4] =	wrdreg $0x0  }
0xb1: {  	[dreg:$0x5] =	wrdreg $0x9  }
0xb2: {  	_ =	task.clear_ibuf [dreg:s7], $0x6FFFF;
	_ =	strace $0x90000049  }
0xb3: {  	s29 =	simm.s32 $0x9;
	_ =	strace $0x8000004B  }
0xb4: {  	_ =	swait.ge [sflag:s29], $0x1  }
0xb5: {  	[sflag:s29] =	ssyncadd.s32 $0xFFFFFFFF  }
0xb6: {  	_ =	strace $0x9000004B  }
0xb7: {  	_ =	sfence  }
0xb8: {  	s30 =	sld [smem:$0x0];
	_ =	sdelay $0x2  }
0xb9: {  	s31 =	sshll.u32 s1, $0xD;
	s1 =	sshrl.u32 s1, $0x2  }
0xba: {  	s3 =	sand.u32 $0x4000, s31;
	s1 =	sadd.s32 s1, s30  }
0xbb: {  	s0 =	sor.u32 s3, s0;
	s1 =	sshll.u32 s1, $0x11  }
0xbc: {  	s0 =	sor.u32 s1, s0  }
0xbd: {  	s0 =	sadd.s32 $0x8F2B, s0  }
0xbe: {  	[sflag:s0] =	ssyncadd.remote.s32 $0x1  }
0xbf: {  	_ =	sfence.sel $0xFFFF  }
0xc0: {  	[dreg:$0x0] =	wrdreg $0xFFFFFFFF;
	(pc) =	sbr.abs _section_cstart, $3  }
0xc1: {  	[dreg:$0x1] =	wrdreg $0xFFFFFFFF  }
0xc2: {  	_ =	task.clear_ibuf [dreg:s7], $0x2FFFF;
	_ =	strace $0x9FFFFFFF  }
0xc3: {  	(tm) =	ssettm $0x7FFFFFFF  }
tec
execute0_lowered:
.L_overlay_start_1:
0x0: {  	(tag) =	ssettag $0x1  }
0x1: {  	s5 =	rddreg [dreg:$0x0]  }
0x2: {  	s11 =	rddreg [dreg:$0x1]  }
0x3: {  	s2 =	rddreg [dreg:$0x2]  }
0x4: {  	s0 =	rddreg [dreg:$0x3]  }
0x5: {  	s1 =	stileid.u32;
	s4 =	srdreg.scid  }
0x6: {  	s3 =	simm.s32 $0x0;
	s15 =	simm.s32 $0x14000;
	s16 =	simm.s32 $0x15400  }
0x7: {  	s17 =	simm.s32 $0x80;
	s18 =	simm.s32 $0x16800;
	s19 =	simm.s32 $0x1A800  }
0x8: {  	s20 =	simm.s32 $0x1;
	s21 =	simm.s32 $0x2;
	s22 =	simm.s32 $0x15380  }
0x9: {  	s23 =	simm.s32 $0x16700;
	s24 =	simm.s32 $0x16780;
	s25 =	simm.s32 $0x0  }
0xa: {  	s6 =	smul.u32 $0x14000, s1;
	s7 =	sand.u32 $0x1, s4;
	[smem:$0x7FF] =	sst s3  }
0xb: {  	s4 =	sadd.s32 $0xBC00, s5;
	s12 =	sadd.s32 $0x1C00, s5;
	s9 =	smul.u32 $0x50000, s1  }
0xc: {  	s13 =	sshll.u32 s1, $0x1;
	s31 =	sshll.u32 s1, $0x6;
	s8 =	smul.u32 $0x140000, s7  }
0xd: {  	_ =	strace $0x8000004A;
	s29 =	ssub.s32 $0x2, s7;
	s7 =	sor.u32 s7, s13  }
0xe: {  	s10 =	sshrl.u32 s29, $0x1;
	s9 =	sshrl.u32 s9, $0x2;
	s14 =	smul.u32 $0x500, s7  }
0xf: {  	s8 =	sadd.s32 s6, s8;
	s6 =	sshrl.u32 s6, $0x3;
	s10 =	ssub.s32 s29, s10  }
0x10: {  	s30 =	sadd.s32 s9, s2;
	s8 =	sshrl.u32 s8, $0x3;
	s6 =	sadd.s32 s6, s5  }
0x11: {  	s9 =	sadd.s32 s11, s14;
	s13 =	sshrl.u32 s30, $0x3;
	s8 =	sadd.s32 s8, s5  }
0x12: {  	s5 =	sadd.s32 $0x33C00, s6;
	s6 =	sor.u32 $0x1C03, s31;
	s7 =	sadd.s32 $0x5BC00, s8  }
0x13: {  	s8 =	smax.u32 s10, $0x1;
	s10 =	sadd.s32 s12, s14;
	s14 =	sadd.s32 $0x280, s14  }
0x14: {  	s11 =	sadd.s32 s11, s14;
	s12 =	sadd.s32 s12, s14;
	s14 =	simm.s32 $0x3  }
.LBB2_1:
0x15: {  	[spmem:s13], [sflag:s6] =	dma.local [hbm:s5], $0x2800  }
0x16: {  	_ =	swait.ge [sflag:s14], $0x2800  }
0x17: {  	[sflag:s14] =	ssyncset.done $0x0  }
0x18: {  	[sflag:s14] =	ssyncadd.s32 $0xFFFFD800  }
0x19: {  	[bflag:$0x0] =	sbarrier.arrive $0xFFFF  }
0x1a: {  	[tilespmem:s15], [sflag:$0x3] =	stream.linear.gather [hbm4b:s9+s3], $0x1400, $0x38;
	[tilespmem:$0x1E800] =	vst v63  }
0x1b: {  	_ =	swait.ge [sflag:s14], $0x1400  }
0x1c: {  	[sflag:s14] =	ssyncset.done $0x0  }
0x1d: {  	[sflag:s14] =	ssyncadd.s32 $0xFFFFEC00  }
0x1e: {  	[tilespmem:s16], [sflag:$0x3] =	stream.linear.gather [hbm4b:s10+s3], $0x1400, $0x38;
	[tilespmem:$0x1E800] =	vst v63  }
0x1f: {  	_ =	swait.ge [sflag:s14], $0x1400  }
0x20: {  	[sflag:s14] =	ssyncset.done $0x0  }
0x21: {  	[sflag:s14] =	ssyncadd.s32 $0xFFFFEC00  }
0x22: {  	[tilespmem:s18], [sflag:$0x1] =	stream.indirect.gather [hbm4b:s4+s17], $0x80, s15, s17, $0xb8;
	[tilespmem:$0x1E800] =	vst v63  }
0x23: {  	s26 =	simm.s32 $0x14080  }
0x24: {  	[tilespmem:s19], [sflag:$0x2] =	stream.indirect.gather [hbm4b:s4+s17], $0x80, s26, s17, $0xb8;
	[tilespmem:$0x1E800] =	vst v63  }
0x25: {  	_ =	swait.ge [sflag:s20], $0x4000  }
0x26: {  	[sflag:s20] =	ssyncset.done $0x0  }
0x27: {  	s29 =	simm.s32 $0x15400;
	[sflag:s20] =	ssyncadd.s32 $0xFFFFC000  }
0x28: {  	[spmem:s2] =	stream.indirect.scatter.add.f32 [tilespmem:s18], [sflag:$0x3], $0x80, s29, s17, $0xb8;
	[tilespmem:$0x1E800] =	vst v63  }
0x29: {  	_ =	swait.ge [sflag:s14], $0x4000  }
0x2a: {  	[sflag:s14] =	ssyncset.done $0x0  }
0x2b: {  	s30 =	simm.s32 $0x14100;
	[sflag:s14] =	ssyncadd.s32 $0xFFFFC000  }
0x2c: {  	[tilespmem:s18], [sflag:$0x1] =	stream.indirect.gather [hbm4b:s4+s17], $0x80, s30, s17, $0xb8;
	[tilespmem:$0x1E800] =	vst v63  }
0x2d: {  	_ =	swait.ge [sflag:s21], $0x4000  }
0x2e: {  	[sflag:s21] =	ssyncset.done $0x0  }
0x2f: {  	s31 =	simm.s32 $0x15480;
	[sflag:s21] =	ssyncadd.s32 $0xFFFFC000  }
0x30: {  	[spmem:s2] =	stream.indirect.scatter.add.f32 [tilespmem:s19], [sflag:$0x3], $0x80, s31, s17, $0xb8;
	[tilespmem:$0x1E800] =	vst v63  }
0x31: {  	_ =	swait.ge [sflag:s14], $0x4000  }
0x32: {  	s28 =	simm.s32 $0x800;
	s26 =	simm.s32 $0x100;
	[sflag:s14] =	ssyncset.done $0x0  }
.LBB2_2:
0x33: {  	s29 =	sadd.s32 $0x14080, s26  }
0x34: {  	[sflag:s14] =	ssyncadd.s32 $0xFFFFC000;
	s30 =	smov.u32 s28;
	s31 =	sadd.s32 $0x400, s28  }
0x35: {  	[tilespmem:s19], [sflag:$0x2] =	stream.indirect.gather [hbm4b:s4+s17], $0x80, s29, s17, $0xb8;
	[tilespmem:$0x1E800] =	vst v63  }
0x36: {  	p0 =	sne.s32 s28, $0x4800;
	_ =	swait.ge [sflag:s20], $0x4000  }
0x37: {  	[sflag:s20] =	ssyncset.done $0x0  }
0x38: {  	s28 =	sadd.s32 $0x15400, s26;
	[sflag:s20] =	ssyncadd.s32 $0xFFFFC000  }
0x39: {  	[spmem:s2] =	stream.indirect.scatter.add.f32 [tilespmem:s18], [sflag:$0x3], $0x80, s28, s17, $0xb8;
	[tilespmem:$0x1E800] =	vst v63  }
0x3a: {  	_ =	swait.ge [sflag:s14], $0x4000  }
0x3b: {  	[sflag:s14] =	ssyncset.done $0x0  }
0x3c: {  	s28 =	sadd.s32 $0x14100, s26;
	[sflag:s14] =	ssyncadd.s32 $0xFFFFC000  }
0x3d: {  	[tilespmem:s18], [sflag:$0x1] =	stream.indirect.gather [hbm4b:s4+s17], $0x80, s28, s17, $0xb8;
	[tilespmem:$0x1E800] =	vst v63  }
0x3e: {  	_ =	swait.ge [sflag:s21], $0x4000  }
.Ltmp0:
0x3f: {  	[sflag:s21] =	ssyncset.done $0x0;
	(pc) =	sbr.rel @p0 .LBB2_2-.Ltmp0, $4  }
0x40: {  	s26 =	sadd.s32 $0x15480, s26;
	[sflag:s21] =	ssyncadd.s32 $0xFFFFC000  }
0x41: {  	[spmem:s2] =	stream.indirect.scatter.add.f32 [tilespmem:s19], [sflag:$0x3], $0x80, s26, s17, $0xb8;
	[tilespmem:$0x1E800] =	vst v63  }
0x42: {  	_ =	swait.ge [sflag:s14], $0x4000  }
0x43: {  	s28 =	smov.u32 s31;
	s26 =	sshra.s32 s30, $0x2;
	[sflag:s14] =	ssyncset.done $0x0  }
0x44: {  	s28 =	sadd.s32 $0x14080, s26;
	[sflag:s14] =	ssyncadd.s32 $0xFFFFC000  }
0x45: {  	[tilespmem:s19], [sflag:$0x2] =	stream.indirect.gather [hbm4b:s4+s17], $0x80, s28, s17, $0xb8;
	[tilespmem:$0x1E800] =	vst v63  }
0x46: {  	_ =	swait.ge [sflag:s20], $0x4000  }
0x47: {  	[sflag:s20] =	ssyncset.done $0x0  }
0x48: {  	s28 =	sadd.s32 $0x15400, s26;
	[sflag:s20] =	ssyncadd.s32 $0xFFFFC000  }
0x49: {  	[spmem:s2] =	stream.indirect.scatter.add.f32 [tilespmem:s18], [sflag:$0x3], $0x80, s28, s17, $0xb8;
	[tilespmem:$0x1E800] =	vst v63  }
0x4a: {  	_ =	swait.ge [sflag:s14], $0x4000  }
0x4b: {  	[sflag:s14] =	ssyncset.done $0x0  }
0x4c: {  	s28 =	sadd.s32 $0x14100, s26;
	[sflag:s14] =	ssyncadd.s32 $0xFFFFC000  }
0x4d: {  	[tilespmem:s18], [sflag:$0x1] =	stream.indirect.gather [hbm4b:s4+s17], $0x80, s28, s17, $0xb8;
	[tilespmem:$0x1E800] =	vst v63  }
0x4e: {  	_ =	swait.ge [sflag:s21], $0x4000  }
0x4f: {  	[sflag:s21] =	ssyncset.done $0x0  }
0x50: {  	s29 =	sadd.s32 $0x15480, s26;
	[sflag:s21] =	ssyncadd.s32 $0xFFFFC000  }
0x51: {  	[spmem:s2] =	stream.indirect.scatter.add.f32 [tilespmem:s19], [sflag:$0x3], $0x80, s29, s17, $0xb8;
	[tilespmem:$0x1E800] =	vst v63  }
0x52: {  	_ =	swait.ge [sflag:s14], $0x4000  }
0x53: {  	[sflag:s14] =	ssyncset.done $0x0  }
0x54: {  	[sflag:s14] =	ssyncadd.s32 $0xFFFFC000  }
0x55: {  	[tilespmem:s19], [sflag:$0x2] =	stream.indirect.gather [hbm4b:s4+s17], $0x80, s22, s17, $0xb8;
	[tilespmem:$0x1E800] =	vst v63  }
0x56: {  	_ =	swait.ge [sflag:s20], $0x4000  }
0x57: {  	[sflag:s20] =	ssyncset.done $0x0  }
0x58: {  	[sflag:s20] =	ssyncadd.s32 $0xFFFFC000  }
0x59: {  	[spmem:s2] =	stream.indirect.scatter.add.f32 [tilespmem:s18], [sflag:$0x3], $0x80, s23, s17, $0xb8;
	[tilespmem:$0x1E800] =	vst v63  }
0x5a: {  	_ =	swait.ge [sflag:s14], $0x4000  }
0x5b: {  	[sflag:s14] =	ssyncset.done $0x0  }
0x5c: {  	[sflag:s14] =	ssyncadd.s32 $0xFFFFC000  }
0x5d: {  	_ =	swait.ge [sflag:s21], $0x4000  }
0x5e: {  	[sflag:s21] =	ssyncset.done $0x0  }
0x5f: {  	[sflag:s21] =	ssyncadd.s32 $0xFFFFC000  }
0x60: {  	[spmem:s2] =	stream.indirect.scatter.add.f32 [tilespmem:s19], [sflag:$0x3], $0x80, s24, s17, $0xb8;
	[tilespmem:$0x1E800] =	vst v63  }
0x61: {  	_ =	swait.ge [sflag:s14], $0x4000  }
0x62: {  	[sflag:s14] =	ssyncset.done $0x0  }
0x63: {  	s30 =	simm.s32 $0x0;
	[sflag:s14] =	ssyncadd.s32 $0xFFFFC000  }
0x64: {  	[tilespmem:s15], [sflag:$0x3] =	stream.linear.gather [hbm4b:s11+s30], $0x1400, $0x38;
	[tilespmem:$0x1E800] =	vst v63  }
0x65: {  	_ =	swait.ge [sflag:s14], $0x1400  }
0x66: {  	[sflag:s14] =	ssyncset.done $0x0  }
0x67: {  	[sflag:s14] =	ssyncadd.s32 $0xFFFFEC00  }
0x68: {  	[tilespmem:s16], [sflag:$0x3] =	stream.linear.gather [hbm4b:s12+s30], $0x1400, $0x38;
	[tilespmem:$0x1E800] =	vst v63  }
0x69: {  	_ =	swait.ge [sflag:s14], $0x1400  }
0x6a: {  	[sflag:s14] =	ssyncset.done $0x0  }
0x6b: {  	[sflag:s14] =	ssyncadd.s32 $0xFFFFEC00  }
0x6c: {  	[tilespmem:s18], [sflag:$0x1] =	stream.indirect.gather [hbm4b:s4+s17], $0x80, s15, s17, $0xb8;
	[tilespmem:$0x1E800] =	vst v63  }
0x6d: {  	s31 =	simm.s32 $0x14080  }
0x6e: {  	[tilespmem:s19], [sflag:$0x2] =	stream.indirect.gather [hbm4b:s4+s17], $0x80, s31, s17, $0xb8;
	[tilespmem:$0x1E800] =	vst v63  }
0x6f: {  	_ =	swait.ge [sflag:s20], $0x4000  }
0x70: {  	[sflag:s20] =	ssyncset.done $0x0  }
0x71: {  	s29 =	simm.s32 $0x15400;
	[sflag:s20] =	ssyncadd.s32 $0xFFFFC000  }
0x72: {  	[spmem:s2] =	stream.indirect.scatter.add.f32 [tilespmem:s18], [sflag:$0x3], $0x80, s29, s17, $0xb8;
	[tilespmem:$0x1E800] =	vst v63  }
0x73: {  	_ =	swait.ge [sflag:s14], $0x4000  }
0x74: {  	[sflag:s14] =	ssyncset.done $0x0  }
0x75: {  	s30 =	simm.s32 $0x14100;
	[sflag:s14] =	ssyncadd.s32 $0xFFFFC000  }
0x76: {  	[tilespmem:s18], [sflag:$0x1] =	stream.indirect.gather [hbm4b:s4+s17], $0x80, s30, s17, $0xb8;
	[tilespmem:$0x1E800] =	vst v63  }
0x77: {  	_ =	swait.ge [sflag:s21], $0x4000  }
0x78: {  	[sflag:s21] =	ssyncset.done $0x0  }
0x79: {  	s31 =	simm.s32 $0x15480;
	[sflag:s21] =	ssyncadd.s32 $0xFFFFC000  }
0x7a: {  	[spmem:s2] =	stream.indirect.scatter.add.f32 [tilespmem:s19], [sflag:$0x3], $0x80, s31, s17, $0xb8;
	[tilespmem:$0x1E800] =	vst v63  }
0x7b: {  	_ =	swait.ge [sflag:s14], $0x4000  }
0x7c: {  	s26 =	simm.s32 $0x100;
	s28 =	simm.s32 $0x800;
	[sflag:s14] =	ssyncset.done $0x0  }
.LBB2_4:
0x7d: {  	s29 =	sadd.s32 $0x14080, s26  }
0x7e: {  	[sflag:s14] =	ssyncadd.s32 $0xFFFFC000;
	s30 =	smov.u32 s28;
	s31 =	sadd.s32 $0x400, s28  }
0x7f: {  	[tilespmem:s19], [sflag:$0x2] =	stream.indirect.gather [hbm4b:s4+s17], $0x80, s29, s17, $0xb8;
	[tilespmem:$0x1E800] =	vst v63  }
0x80: {  	p0 =	sne.s32 s28, $0x4800;
	_ =	swait.ge [sflag:s20], $0x4000  }
0x81: {  	[sflag:s20] =	ssyncset.done $0x0  }
0x82: {  	s28 =	sadd.s32 $0x15400, s26;
	[sflag:s20] =	ssyncadd.s32 $0xFFFFC000  }
0x83: {  	[spmem:s2] =	stream.indirect.scatter.add.f32 [tilespmem:s18], [sflag:$0x3], $0x80, s28, s17, $0xb8;
	[tilespmem:$0x1E800] =	vst v63  }
0x84: {  	_ =	swait.ge [sflag:s14], $0x4000  }
0x85: {  	[sflag:s14] =	ssyncset.done $0x0  }
0x86: {  	s28 =	sadd.s32 $0x14100, s26;
	[sflag:s14] =	ssyncadd.s32 $0xFFFFC000  }
0x87: {  	[tilespmem:s18], [sflag:$0x1] =	stream.indirect.gather [hbm4b:s4+s17], $0x80, s28, s17, $0xb8;
	[tilespmem:$0x1E800] =	vst v63  }
0x88: {  	_ =	swait.ge [sflag:s21], $0x4000  }
.Ltmp1:
0x89: {  	[sflag:s21] =	ssyncset.done $0x0;
	(pc) =	sbr.rel @p0 .LBB2_4-.Ltmp1, $4  }
0x8a: {  	s26 =	sadd.s32 $0x15480, s26;
	[sflag:s21] =	ssyncadd.s32 $0xFFFFC000  }
0x8b: {  	[spmem:s2] =	stream.indirect.scatter.add.f32 [tilespmem:s19], [sflag:$0x3], $0x80, s26, s17, $0xb8;
	[tilespmem:$0x1E800] =	vst v63  }
0x8c: {  	_ =	swait.ge [sflag:s14], $0x4000  }
0x8d: {  	s28 =	smov.u32 s31;
	s26 =	sshra.s32 s30, $0x2;
	[sflag:s14] =	ssyncset.done $0x0  }
0x8e: {  	s28 =	sadd.s32 $0x14080, s26;
	[sflag:s14] =	ssyncadd.s32 $0xFFFFC000  }
0x8f: {  	[tilespmem:s19], [sflag:$0x2] =	stream.indirect.gather [hbm4b:s4+s17], $0x80, s28, s17, $0xb8;
	[tilespmem:$0x1E800] =	vst v63  }
0x90: {  	_ =	swait.ge [sflag:s20], $0x4000  }
0x91: {  	[sflag:s20] =	ssyncset.done $0x0  }
0x92: {  	s29 =	sadd.s32 $0x15400, s26;
	[sflag:s20] =	ssyncadd.s32 $0xFFFFC000  }
0x93: {  	[spmem:s2] =	stream.indirect.scatter.add.f32 [tilespmem:s18], [sflag:$0x3], $0x80, s29, s17, $0xb8;
	[tilespmem:$0x1E800] =	vst v63  }
0x94: {  	_ =	swait.ge [sflag:s14], $0x4000  }
0x95: {  	[sflag:s14] =	ssyncset.done $0x0  }
0x96: {  	s30 =	sadd.s32 $0x14100, s26;
	[sflag:s14] =	ssyncadd.s32 $0xFFFFC000  }
0x97: {  	[tilespmem:s18], [sflag:$0x1] =	stream.indirect.gather [hbm4b:s4+s17], $0x80, s30, s17, $0xb8;
	[tilespmem:$0x1E800] =	vst v63  }
0x98: {  	_ =	swait.ge [sflag:s21], $0x4000  }
0x99: {  	[sflag:s21] =	ssyncset.done $0x0  }
0x9a: {  	s31 =	sadd.s32 $0x15480, s26;
	[sflag:s21] =	ssyncadd.s32 $0xFFFFC000  }
0x9b: {  	[spmem:s2] =	stream.indirect.scatter.add.f32 [tilespmem:s19], [sflag:$0x3], $0x80, s31, s17, $0xb8;
	[tilespmem:$0x1E800] =	vst v63  }
0x9c: {  	_ =	swait.ge [sflag:s14], $0x4000  }
0x9d: {  	[sflag:s14] =	ssyncset.done $0x0  }
0x9e: {  	[sflag:s14] =	ssyncadd.s32 $0xFFFFC000  }
0x9f: {  	[tilespmem:s19], [sflag:$0x2] =	stream.indirect.gather [hbm4b:s4+s17], $0x80, s22, s17, $0xb8;
	[tilespmem:$0x1E800] =	vst v63  }
0xa0: {  	_ =	swait.ge [sflag:s20], $0x4000  }
0xa1: {  	[sflag:s20] =	ssyncset.done $0x0  }
0xa2: {  	[sflag:s20] =	ssyncadd.s32 $0xFFFFC000  }
0xa3: {  	[spmem:s2] =	stream.indirect.scatter.add.f32 [tilespmem:s18], [sflag:$0x3], $0x80, s23, s17, $0xb8;
	[tilespmem:$0x1E800] =	vst v63  }
0xa4: {  	_ =	swait.ge [sflag:s14], $0x4000  }
0xa5: {  	[sflag:s14] =	ssyncset.done $0x0  }
0xa6: {  	[sflag:s14] =	ssyncadd.s32 $0xFFFFC000  }
0xa7: {  	_ =	swait.ge [sflag:s21], $0x4000  }
0xa8: {  	[sflag:s21] =	ssyncset.done $0x0  }
0xa9: {  	[sflag:s21] =	ssyncadd.s32 $0xFFFFC000  }
0xaa: {  	[spmem:s2] =	stream.indirect.scatter.add.f32 [tilespmem:s19], [sflag:$0x3], $0x80, s24, s17, $0xb8;
	[tilespmem:$0x1E800] =	vst v63  }
0xab: {  	_ =	swait.ge [sflag:s14], $0x4000  }
0xac: {  	s25 =	sadd.s32 $0x1, s25;
	[sflag:s14] =	ssyncset.done $0x0  }
0xad: {  	p0 =	sne.s32 s25, s8;
	[sflag:s14] =	ssyncadd.s32 $0xFFFFC000  }
.Ltmp2:
0xae: {  	[bflag:$0x0] =	sbarrier.arrive $0xFFFF;
	(pc) =	sbr.rel @p0 .LBB2_1-.Ltmp2, $4  }
0xaf: {  	[hbm:s7], [sflag:s6] =	dma.local [spmem:s13], $0x2800  }
0xb0: {  	_ =	swait.ge [sflag:s14], $0x2800  }
0xb1: {  	[sflag:s14] =	ssyncset.done $0x0  }
0xb2: {  	[sflag:s14] =	ssyncadd.s32 $0xFFFFD800  }
0xb3: {  	_ =	sfence.sel $0x180000  }
0xb4: {  	[bflag:$0x0] =	sbarrier.arrive $0xFFFF  }
0xb5: {  	p0 =	sne.s32 s1, $0x0;
	_ =	strace $0x9000004A  }
0xb6: {  	s0 =	sadd.s32 @!p0 $0x100000, s0;
	[bflag:$0x2] =	sbarrier.arrive $0xFFFF  }
0xb7: {  	[sflag:s0] =	ssyncadd.tile.s32 @!p0 $0x1;
	_ =	shalt  }
.Lfunc_end2:
_tile_overlayer_lowered:
.L_overlay_start_2:
0xb8: {  	(tag) =	ssettag $0x2  }
0xb9: {  	s0 =	rddreg [dreg:$0x0];
	s2 =	stileid.u32  }
0xba: {  	s1 =	rddreg [dreg:$0x1];
	p0 =	sne.s32 s2, $0x0  }
0xbb: {  	s3 =	rddreg [dreg:$0x2];
	[bflag:$0x3] =	sbarrier.arrive $0xFFFF;
	s2 =	simm.s32 @!p0 $0x1C03  }
0xbc: {  	[timem:s3], [sflag:s2] =	dma.local @!p0 [hbm:s0], s1  }
0xbd: {  	s0 =	simm.s32 @!p0 $0x3  }
0xbe: {  	_ =	swait.ge @!p0 [sflag:s0], s1  }
0xbf: {  	s1 =	ssub.s32 @!p0 $0x0, s1;
	[sflag:s0] =	ssyncset.done @!p0 $0x0  }
0xc0: {  	[sflag:s0] =	ssyncadd.s32 @!p0 s1  }
0xc1: {  	[bflag:$0x3] =	sbarrier.arrive $0xFFFF  }
0xc2: {  	_ =	shalt  }

// kernel: kernel.14.cloned.1.call-start
scs
__scs_entry_jumppad:
0x0: {  	(pc) =	sbr.rel $0x88, $3  }
0x1: {  	(tag) =	ssettag $0x0;
	lr =	simm.s32 $0x1  }
0x2: {  	[smem:$0x3F9B] =	sst lr;
	_ =	strace $0xD0000000  }
0x3: {  	_ = 	snop  }
0x4: {  	_ = 	snop  }
0x5: {  	_ = 	snop  }
0x6: {  	_ = 	snop  }
0x7: {  	_ = 	snop  }
__scs_overlays_trampoline_lowered:
0x8: {  	[smem:$0x3FAA] =	sst s0  }
0x9: {  	[smem:$0x3FAB] =	sst s1  }
0xa: {  	[smem:$0x3FAC] =	sst s2  }
0xb: {  	[smem:$0x3FAD] =	sst s3  }
0xc: {  	[smem:$0x3FAE] =	sst s4  }
0xd: {  	[smem:$0x3FAF] =	sst s5  }
0xe: {  	[smem:$0x3FB0] =	sst s6  }
0xf: {  	[smem:$0x3FB1] =	sst s7  }
0x10: {  	[smem:$0x3FB2] =	sst s8  }
0x11: {  	[smem:$0x3FB3] =	sst s9;
	s0 =	simm.s32 @!p0 $0x0  }
0x12: {  	s1 =	sld [smem:$0x3F99];
	s0 =	simm.s32 @p0 $0x1  }
0x13: {  	[smem:$0x3FB4] =	sst s0;
	s0 =	simm.s32 @!p1 $0x0  }
0x14: {  	s2 =	sld [smem:$0x3F98];
	s0 =	simm.s32 @p1 $0x1  }
0x15: {  	[smem:$0x3FB5] =	sst s0;
	s0 =	simm.s32 @!p2 $0x0  }
0x16: {  	s3 =	sld [smem:$0x3FDB];
	s0 =	simm.s32 @p2 $0x1  }
0x17: {  	s4 =	simm.s32 $0x1BF5;
	[smem:$0x3FB7] =	sst s0  }
0x18: {  	s0 =	sld [smem:$0x3F9A];
	_ =	swait.ge [sflag:s4], $0x0  }
0x19: {  	s7 =	sld [smem:$0x3F9B]  }
0x1a: {  	s8 =	sadd.s32 $0xFFFFE003, lr  }
0x1b: {  	s9 =	sadd.s32 $0xFFFFFEF7, lr;
	s5 =	simm.s32 $0xFFFFFFFF;
	p2 =	slt.u32 s8, $0xFFFFF086  }
0x1c: {  	p1 =	slt.u32 s9, $0xF7A;
	s5 =	simm.s32 @!p2 $0x0  }
0x1d: {  	s5 =	simm.s32 @p1 $0x1;
	p0 =	seq.s32 s7, s2  }
0x1e: {  	s7 =	smul.u32 @!p0 $0xF7A, s2;
	p2 =	seq.s32 @!p0 s5, $0x0  }
0x1f: {  	s9 =	smul.u32 $0xF7A, s1;
	s8 =	simm.s32 @!p0 $0x1BF5;
	p2 =	por !p2, p0  }
0x20: {  	[sflag:s8] =	ssyncset.s32 @!p0 $0xFFFFF086;
	s6 =	sadd.s32 @!p0 s3, s7;
	s7 =	simm.s32 @!p0 $0x108  }
0x21: {  	s3 =	sadd.s32 s3, s9;
	s6 =	sadd.s32 @!p0 $0x88, s6;
	s7 =	simm.s32 @p2 $0x1082  }
0x22: {  	[simem:s7], [sflag:s8] =	dma.local @!p0 [hbm:s6], $0xF7A  }
0x23: {  	s9 =	sor.u32 $0xD0000000, s2;
	s6 =	simm.s32 $0x108;
	_ =	swait.ge @!p0 [sflag:s8], $0x0  }
0x24: {  	s3 =	sadd.s32 $0x88, s3;
	s6 =	simm.s32 @!p1 $0x1082;
	[sflag:s4] =	ssyncset.s32 $0xFFFFF086  }
0x25: {  	[simem:s6], [sflag:s4] =	dma.local [hbm:s3], $0xF7A  }
0x26: {  	[smem:$0x3F9B] =	sst s1;
	(tag) =	ssettag s2;
	_ =	strace s9  }
0x27: {  	s1 =	sld [smem:$0x3FAB]  }
0x28: {  	s2 =	sld [smem:$0x3FAC]  }
0x29: {  	s4 =	sld [smem:$0x3FAE]  }
0x2a: {  	p0 =	seq.s32 s5, $0x0;
	s5 =	sld [smem:$0x3FAF]  }
0x2b: {  	s6 =	sld [smem:$0x3FB0]  }
0x2c: {  	s7 =	sld [smem:$0x3FB1]  }
0x2d: {  	s3 =	simm.s32 $0x108;
	s8 =	sld [smem:$0x3FB2]  }
0x2e: {  	s3 =	simm.s32 @!p0 $0x1082;
	s9 =	sld [smem:$0x3FB3]  }
0x2f: {  	lr =	sadd.s32 s0, s3;
	s0 =	sld [smem:$0x3FAA]  }
0x30: {  	s3 =	sld [smem:$0x3FAD]  }
0x31: {  	[smem:$0x3FB6] =	sst s10  }
0x32: {  	s10 =	sld [smem:$0x3FB4];
	_ =	sdelay $0x3  }
0x33: {  	p0 =	seq.s32 s10, $0x1;
	s10 =	sld [smem:$0x3FB6];
	_ =	sdelay $0x3  }
0x34: {  	[smem:$0x3FB6] =	sst s10  }
0x35: {  	s10 =	sld [smem:$0x3FB5];
	_ =	sdelay $0x3  }
0x36: {  	p1 =	seq.s32 s10, $0x1;
	s10 =	sld [smem:$0x3FB6];
	_ =	sdelay $0x3  }
0x37: {  	[smem:$0x3FB6] =	sst s10  }
0x38: {  	s10 =	sld [smem:$0x3FB7]  }
0x39: {  	_ = 	snop;
	(pc) =	sbr.ind lr, $3  }
0x3a: {  	_ = 	snop  }
0x3b: {  	_ = 	snop  }
0x3c: {  	p2 =	seq.s32 s10, $0x1;
	s10 =	sld [smem:$0x3FB6]  }
0x3d: {  	_ =	shalt  }
0x3e: {  	_ =	shalt  }
0x3f: {  	_ =	shalt  }
0x40: {  	_ =	shalt  }
0x41: {  	_ =	shalt  }
0x42: {  	_ =	shalt  }
0x43: {  	_ =	shalt  }
0x44: {  	_ =	shalt  }
0x45: {  	_ =	shalt  }
0x46: {  	_ =	shalt  }
0x47: {  	_ =	shalt  }
0x48: {  	_ =	shalt  }
0x49: {  	_ =	shalt  }
0x4a: {  	_ =	shalt  }
0x4b: {  	_ =	shalt  }
0x4c: {  	_ =	shalt  }
0x4d: {  	_ =	shalt  }
0x4e: {  	_ =	shalt  }
0x4f: {  	_ =	shalt  }
0x50: {  	_ =	shalt  }
0x51: {  	_ =	shalt  }
0x52: {  	_ =	shalt  }
0x53: {  	_ =	shalt  }
0x54: {  	_ =	shalt  }
0x55: {  	_ =	shalt  }
0x56: {  	_ =	shalt  }
0x57: {  	_ =	shalt  }
0x58: {  	_ =	shalt  }
0x59: {  	_ =	shalt  }
0x5a: {  	_ =	shalt  }
0x5b: {  	_ =	shalt  }
0x5c: {  	_ =	shalt  }
0x5d: {  	_ =	shalt  }
0x5e: {  	_ =	shalt  }
0x5f: {  	_ =	shalt  }
0x60: {  	_ =	shalt  }
0x61: {  	_ =	shalt  }
0x62: {  	_ =	shalt  }
0x63: {  	_ =	shalt  }
0x64: {  	_ =	shalt  }
0x65: {  	_ =	shalt  }
0x66: {  	_ =	shalt  }
0x67: {  	_ =	shalt  }
0x68: {  	_ =	shalt  }
0x69: {  	_ =	shalt  }
0x6a: {  	_ =	shalt  }
0x6b: {  	_ =	shalt  }
0x6c: {  	_ =	shalt  }
0x6d: {  	_ =	shalt  }
0x6e: {  	_ =	shalt  }
0x6f: {  	_ =	shalt  }
0x70: {  	_ =	shalt  }
0x71: {  	_ =	shalt  }
0x72: {  	_ =	shalt  }
0x73: {  	_ =	shalt  }
0x74: {  	_ =	shalt  }
0x75: {  	_ =	shalt  }
0x76: {  	_ =	shalt  }
0x77: {  	_ =	shalt  }
0x78: {  	_ =	shalt  }
0x79: {  	_ =	shalt  }
0x7a: {  	_ =	shalt  }
0x7b: {  	_ =	shalt  }
0x7c: {  	_ =	shalt  }
0x7d: {  	_ =	shalt  }
0x7e: {  	_ =	shalt  }
0x7f: {  	_ =	shalt  }
0x80: {  	_ =	shalt  }
0x81: {  	_ =	shalt  }
0x82: {  	_ =	shalt  }
0x83: {  	_ =	shalt  }
0x84: {  	_ =	shalt  }
0x85: {  	_ =	shalt  }
0x86: {  	_ =	shalt  }
0x87: {  	_ =	shalt  }
.Lfunc_end0:
.L_simem_size_0:
called_computation.2_lowered:
.L_overlay_start_0:
0x88: {  	s2 =	sld [smem:$0x3FD9]  }
0x89: {  	s3 =	sld [smem:$0x3FFE];
	_ =	sdelay $0x1  }
0x8a: {  	s1 =	srdreg.scid  }
0x8b: {  	s0 =	sand.u32 $0x1, s1  }
0x8c: {  	s17 =	sshll.u32 s0, $0xA;
	s2 =	sadd.s32 s3, s2  }
0x8d: {  	s2 =	sadd.s32 s2, s17  }
0x8e: {  	[smem:$0x3FC2] =	sst s2  }
0x8f: {  	_ = 	snop  }
0x90: {  	s2 =	sld [smem:$0x3FD0];
	(tm) =	ssettm $0x1  }
0x91: {  	s18 =	sld [smem:$0x3FFB];
	_ =	sdelay $0x3  }
0x92: {  	_ =	strace s18  }
0x93: {  	s3 =	sld [smem:$0x3FFC];
	_ =	sdelay $0x3  }
0x94: {  	_ =	strace s3  }
0x95: {  	s3 =	sld [smem:$0x3FFD];
	_ =	sdelay $0x3  }
0x96: {  	_ =	strace s3  }
0x97: {  	_ =	strace $0x8FFFFFFF  }
0x98: {  	s19 =	sld [smem:$0x3FDB];
	_ =	sdelay $0x1  }
0x99: {  	s4 =	simm.s32 $_scs_section_size  }
0x9a: {  	s5 =	simm.s32 $_size__tile_overlayer_lowered;
	s6 =	simm.s32 $_tile_overlayer_lowered  }
0x9b: {  	s22 =	simm.s32 $0x1BFF;
	s21 =	sshll.u32 s6, $0x1;
	s3 =	sadd.s32 s4, s19  }
0x9c: {  	s7 =	simm.s32 $0x0;
	s20 =	sshll.u32 s5, $0x1;
	s5 =	sadd.s32 s21, s3  }
0x9d: {  	[timem:s7], [sflag:s22] =	dma.local [hbm:s5], s20  }
0x9e: {  	_ =	swait.ge [sflag:s22], s20  }
0x9f: {  	s4 =	ssub.s32 $0x0, s20;
	[sflag:s22] =	ssyncset.done $0x0  }
0xa0: {  	[sflag:s22] =	ssyncadd.s32 s4;
	_ =	sdelay $0x1  }
0xa1: {  	s23 =	simm.s32 $0x1B8B  }
0xa2: {  	_ =	swait.ge [sflag:s23], $0x1  }
0xa3: {  	[sflag:s23] =	ssyncset.done $0x0  }
0xa4: {  	s25 =	simm.s32 $0x1B8E;
	s24 =	sld [smem:$0x3FFE];
	[sflag:s23] =	ssyncadd.s32 $0xFFFFFFFF  }
0xa5: {  	s26 =	simm.s32 $execute0_lowered;
	[smem:$0x3FD2] =	sst s25  }
0xa6: {  	s5 =	sshll.u32 s26, $0x1;
	_ =	strace $0x8000004C;
	[dreg:$0x1] =	wrdreg $0xFFFFFFFF  }
0xa7: {  	s28 =	simm.s32 $_size_execute0_lowered;
	s3 =	sadd.s32 s3, s5;
	[dreg:$0x0] =	wrdreg $0x0  }
0xa8: {  	s5 =	sshll.u32 s28, $0x1;
	[dreg:$0x2] =	wrdreg s3  }
0xa9: {  	[dreg:$0x3] =	wrdreg s5  }
0xaa: {  	[dreg:$0x4] =	wrdreg $0xC0  }
0xab: {  	_ =	task [dreg:s7], $0x5FFFF  }
0xac: {  	[dreg:$0x1] =	wrdreg $0xFFFFFFFF  }
0xad: {  	[dreg:$0x0] =	wrdreg $0x60  }
0xae: {  	[dreg:$0x2] =	wrdreg s24  }
0xaf: {  	[dreg:$0x3] =	wrdreg s2  }
0xb0: {  	[dreg:$0x4] =	wrdreg $0x0  }
0xb1: {  	[dreg:$0x5] =	wrdreg $0x9  }
0xb2: {  	_ =	task.clear_ibuf [dreg:s7], $0x6FFFF;
	_ =	strace $0x9000004C  }
0xb3: {  	s29 =	simm.s32 $0x9;
	_ =	strace $0x8000004E  }
0xb4: {  	_ =	swait.ge [sflag:s29], $0x1  }
0xb5: {  	[sflag:s29] =	ssyncadd.s32 $0xFFFFFFFF  }
0xb6: {  	_ =	strace $0x9000004E  }
0xb7: {  	_ =	sfence  }
0xb8: {  	s30 =	sld [smem:$0x0];
	_ =	sdelay $0x2  }
0xb9: {  	s31 =	sshll.u32 s1, $0xD;
	s1 =	sshrl.u32 s1, $0x2  }
0xba: {  	s3 =	sand.u32 $0x4000, s31;
	s1 =	sadd.s32 s1, s30  }
0xbb: {  	s0 =	sor.u32 s3, s0;
	s1 =	sshll.u32 s1, $0x11  }
0xbc: {  	s0 =	sor.u32 s1, s0  }
0xbd: {  	s0 =	sadd.s32 $0x8F2B, s0  }
0xbe: {  	[sflag:s0] =	ssyncadd.remote.s32 $0x1  }
0xbf: {  	_ =	sfence.sel $0xFFFF  }
0xc0: {  	[dreg:$0x0] =	wrdreg $0xFFFFFFFF;
	(pc) =	sbr.abs _section_cstart, $3  }
0xc1: {  	[dreg:$0x1] =	wrdreg $0xFFFFFFFF  }
0xc2: {  	_ =	task.clear_ibuf [dreg:s7], $0x2FFFF;
	_ =	strace $0x9FFFFFFF  }
0xc3: {  	(tm) =	ssettm $0x7FFFFFFF  }
tec
execute0_lowered:
.L_overlay_start_1:
0x0: {  	(tag) =	ssettag $0x1  }
0x1: {  	s5 =	rddreg [dreg:$0x0]  }
0x2: {  	s11 =	rddreg [dreg:$0x1]  }
0x3: {  	s2 =	rddreg [dreg:$0x2]  }
0x4: {  	s0 =	rddreg [dreg:$0x3]  }
0x5: {  	s1 =	stileid.u32;
	s4 =	srdreg.scid  }
0x6: {  	s3 =	simm.s32 $0x0;
	s15 =	simm.s32 $0x14000;
	s16 =	simm.s32 $0x15400  }
0x7: {  	s17 =	simm.s32 $0x80;
	s18 =	simm.s32 $0x16800;
	s19 =	simm.s32 $0x1A800  }
0x8: {  	s20 =	simm.s32 $0x1;
	s21 =	simm.s32 $0x2;
	s22 =	simm.s32 $0x15380  }
0x9: {  	s23 =	simm.s32 $0x16700;
	s24 =	simm.s32 $0x16780;
	s25 =	simm.s32 $0x0  }
0xa: {  	s6 =	smul.u32 $0x14000, s1;
	s7 =	sand.u32 $0x1, s4;
	[smem:$0x7FF] =	sst s3  }
0xb: {  	s4 =	sadd.s32 $0xBC00, s5;
	s12 =	sadd.s32 $0x1C00, s5;
	s9 =	smul.u32 $0x50000, s1  }
0xc: {  	s13 =	sshll.u32 s1, $0x1;
	s31 =	sshll.u32 s1, $0x6;
	s8 =	smul.u32 $0x140000, s7  }
0xd: {  	_ =	strace $0x8000004D;
	s29 =	ssub.s32 $0x2, s7;
	s7 =	sor.u32 s7, s13  }
0xe: {  	s10 =	sshrl.u32 s29, $0x1;
	s9 =	sshrl.u32 s9, $0x2;
	s14 =	smul.u32 $0x500, s7  }
0xf: {  	s8 =	sadd.s32 s6, s8;
	s6 =	sshrl.u32 s6, $0x3;
	s10 =	ssub.s32 s29, s10  }
0x10: {  	s30 =	sadd.s32 s9, s2;
	s8 =	sshrl.u32 s8, $0x3;
	s6 =	sadd.s32 s6, s5  }
0x11: {  	s9 =	sadd.s32 s11, s14;
	s13 =	sshrl.u32 s30, $0x3;
	s8 =	sadd.s32 s8, s5  }
0x12: {  	s5 =	sadd.s32 $0x33C00, s6;
	s6 =	sor.u32 $0x1C03, s31;
	s7 =	sadd.s32 $0x5BC00, s8  }
0x13: {  	s8 =	smax.u32 s10, $0x1;
	s10 =	sadd.s32 s12, s14;
	s14 =	sadd.s32 $0x280, s14  }
0x14: {  	s11 =	sadd.s32 s11, s14;
	s12 =	sadd.s32 s12, s14;
	s14 =	simm.s32 $0x3  }
.LBB2_1:
0x15: {  	[spmem:s13], [sflag:s6] =	dma.local [hbm:s5], $0x2800  }
0x16: {  	_ =	swait.ge [sflag:s14], $0x2800  }
0x17: {  	[sflag:s14] =	ssyncset.done $0x0  }
0x18: {  	[sflag:s14] =	ssyncadd.s32 $0xFFFFD800  }
0x19: {  	[bflag:$0x0] =	sbarrier.arrive $0xFFFF  }
0x1a: {  	[tilespmem:s15], [sflag:$0x3] =	stream.linear.gather [hbm4b:s9+s3], $0x1400, $0x38;
	[tilespmem:$0x1E800] =	vst v63  }
0x1b: {  	_ =	swait.ge [sflag:s14], $0x1400  }
0x1c: {  	[sflag:s14] =	ssyncset.done $0x0  }
0x1d: {  	[sflag:s14] =	ssyncadd.s32 $0xFFFFEC00  }
0x1e: {  	[tilespmem:s16], [sflag:$0x3] =	stream.linear.gather [hbm4b:s10+s3], $0x1400, $0x38;
	[tilespmem:$0x1E800] =	vst v63  }
0x1f: {  	_ =	swait.ge [sflag:s14], $0x1400  }
0x20: {  	[sflag:s14] =	ssyncset.done $0x0  }
0x21: {  	[sflag:s14] =	ssyncadd.s32 $0xFFFFEC00  }
0x22: {  	[tilespmem:s18], [sflag:$0x1] =	stream.indirect.gather [hbm4b:s4+s17], $0x80, s15, s17, $0xb8;
	[tilespmem:$0x1E800] =	vst v63  }
0x23: {  	s26 =	simm.s32 $0x14080  }
0x24: {  	[tilespmem:s19], [sflag:$0x2] =	stream.indirect.gather [hbm4b:s4+s17], $0x80, s26, s17, $0xb8;
	[tilespmem:$0x1E800] =	vst v63  }
0x25: {  	_ =	swait.ge [sflag:s20], $0x4000  }
0x26: {  	[sflag:s20] =	ssyncset.done $0x0  }
0x27: {  	s29 =	simm.s32 $0x15400;
	[sflag:s20] =	ssyncadd.s32 $0xFFFFC000  }
0x28: {  	[spmem:s2] =	stream.indirect.scatter.add.f32 [tilespmem:s18], [sflag:$0x3], $0x80, s29, s17, $0xb8;
	[tilespmem:$0x1E800] =	vst v63  }
0x29: {  	_ =	swait.ge [sflag:s14], $0x4000  }
0x2a: {  	[sflag:s14] =	ssyncset.done $0x0  }
0x2b: {  	s30 =	simm.s32 $0x14100;
	[sflag:s14] =	ssyncadd.s32 $0xFFFFC000  }
0x2c: {  	[tilespmem:s18], [sflag:$0x1] =	stream.indirect.gather [hbm4b:s4+s17], $0x80, s30, s17, $0xb8;
	[tilespmem:$0x1E800] =	vst v63  }
0x2d: {  	_ =	swait.ge [sflag:s21], $0x4000  }
0x2e: {  	[sflag:s21] =	ssyncset.done $0x0  }
0x2f: {  	s31 =	simm.s32 $0x15480;
	[sflag:s21] =	ssyncadd.s32 $0xFFFFC000  }
0x30: {  	[spmem:s2] =	stream.indirect.scatter.add.f32 [tilespmem:s19], [sflag:$0x3], $0x80, s31, s17, $0xb8;
	[tilespmem:$0x1E800] =	vst v63  }
0x31: {  	_ =	swait.ge [sflag:s14], $0x4000  }
0x32: {  	s28 =	simm.s32 $0x800;
	s26 =	simm.s32 $0x100;
	[sflag:s14] =	ssyncset.done $0x0  }
.LBB2_2:
0x33: {  	s29 =	sadd.s32 $0x14080, s26  }
0x34: {  	[sflag:s14] =	ssyncadd.s32 $0xFFFFC000;
	s30 =	smov.u32 s28;
	s31 =	sadd.s32 $0x400, s28  }
0x35: {  	[tilespmem:s19], [sflag:$0x2] =	stream.indirect.gather [hbm4b:s4+s17], $0x80, s29, s17, $0xb8;
	[tilespmem:$0x1E800] =	vst v63  }
0x36: {  	p0 =	sne.s32 s28, $0x4800;
	_ =	swait.ge [sflag:s20], $0x4000  }
0x37: {  	[sflag:s20] =	ssyncset.done $0x0  }
0x38: {  	s28 =	sadd.s32 $0x15400, s26;
	[sflag:s20] =	ssyncadd.s32 $0xFFFFC000  }
0x39: {  	[spmem:s2] =	stream.indirect.scatter.add.f32 [tilespmem:s18], [sflag:$0x3], $0x80, s28, s17, $0xb8;
	[tilespmem:$0x1E800] =	vst v63  }
0x3a: {  	_ =	swait.ge [sflag:s14], $0x4000  }
0x3b: {  	[sflag:s14] =	ssyncset.done $0x0  }
0x3c: {  	s28 =	sadd.s32 $0x14100, s26;
	[sflag:s14] =	ssyncadd.s32 $0xFFFFC000  }
0x3d: {  	[tilespmem:s18], [sflag:$0x1] =	stream.indirect.gather [hbm4b:s4+s17], $0x80, s28, s17, $0xb8;
	[tilespmem:$0x1E800] =	vst v63  }
0x3e: {  	_ =	swait.ge [sflag:s21], $0x4000  }
.Ltmp0:
0x3f: {  	[sflag:s21] =	ssyncset.done $0x0;
	(pc) =	sbr.rel @p0 .LBB2_2-.Ltmp0, $4  }
0x40: {  	s26 =	sadd.s32 $0x15480, s26;
	[sflag:s21] =	ssyncadd.s32 $0xFFFFC000  }
0x41: {  	[spmem:s2] =	stream.indirect.scatter.add.f32 [tilespmem:s19], [sflag:$0x3], $0x80, s26, s17, $0xb8;
	[tilespmem:$0x1E800] =	vst v63  }
0x42: {  	_ =	swait.ge [sflag:s14], $0x4000  }
0x43: {  	s28 =	smov.u32 s31;
	s26 =	sshra.s32 s30, $0x2;
	[sflag:s14] =	ssyncset.done $0x0  }
0x44: {  	s28 =	sadd.s32 $0x14080, s26;
	[sflag:s14] =	ssyncadd.s32 $0xFFFFC000  }
0x45: {  	[tilespmem:s19], [sflag:$0x2] =	stream.indirect.gather [hbm4b:s4+s17], $0x80, s28, s17, $0xb8;
	[tilespmem:$0x1E800] =	vst v63  }
0x46: {  	_ =	swait.ge [sflag:s20], $0x4000  }
0x47: {  	[sflag:s20] =	ssyncset.done $0x0  }
0x48: {  	s28 =	sadd.s32 $0x15400, s26;
	[sflag:s20] =	ssyncadd.s32 $0xFFFFC000  }
0x49: {  	[spmem:s2] =	stream.indirect.scatter.add.f32 [tilespmem:s18], [sflag:$0x3], $0x80, s28, s17, $0xb8;
	[tilespmem:$0x1E800] =	vst v63  }
0x4a: {  	_ =	swait.ge [sflag:s14], $0x4000  }
0x4b: {  	[sflag:s14] =	ssyncset.done $0x0  }
0x4c: {  	s28 =	sadd.s32 $0x14100, s26;
	[sflag:s14] =	ssyncadd.s32 $0xFFFFC000  }
0x4d: {  	[tilespmem:s18], [sflag:$0x1] =	stream.indirect.gather [hbm4b:s4+s17], $0x80, s28, s17, $0xb8;
	[tilespmem:$0x1E800] =	vst v63  }
0x4e: {  	_ =	swait.ge [sflag:s21], $0x4000  }
0x4f: {  	[sflag:s21] =	ssyncset.done $0x0  }
0x50: {  	s29 =	sadd.s32 $0x15480, s26;
	[sflag:s21] =	ssyncadd.s32 $0xFFFFC000  }
0x51: {  	[spmem:s2] =	stream.indirect.scatter.add.f32 [tilespmem:s19], [sflag:$0x3], $0x80, s29, s17, $0xb8;
	[tilespmem:$0x1E800] =	vst v63  }
0x52: {  	_ =	swait.ge [sflag:s14], $0x4000  }
0x53: {  	[sflag:s14] =	ssyncset.done $0x0  }
0x54: {  	[sflag:s14] =	ssyncadd.s32 $0xFFFFC000  }
0x55: {  	[tilespmem:s19], [sflag:$0x2] =	stream.indirect.gather [hbm4b:s4+s17], $0x80, s22, s17, $0xb8;
	[tilespmem:$0x1E800] =	vst v63  }
0x56: {  	_ =	swait.ge [sflag:s20], $0x4000  }
0x57: {  	[sflag:s20] =	ssyncset.done $0x0  }
0x58: {  	[sflag:s20] =	ssyncadd.s32 $0xFFFFC000  }
0x59: {  	[spmem:s2] =	stream.indirect.scatter.add.f32 [tilespmem:s18], [sflag:$0x3], $0x80, s23, s17, $0xb8;
	[tilespmem:$0x1E800] =	vst v63  }
0x5a: {  	_ =	swait.ge [sflag:s14], $0x4000  }
0x5b: {  	[sflag:s14] =	ssyncset.done $0x0  }
0x5c: {  	[sflag:s14] =	ssyncadd.s32 $0xFFFFC000  }
0x5d: {  	_ =	swait.ge [sflag:s21], $0x4000  }
0x5e: {  	[sflag:s21] =	ssyncset.done $0x0  }
0x5f: {  	[sflag:s21] =	ssyncadd.s32 $0xFFFFC000  }
0x60: {  	[spmem:s2] =	stream.indirect.scatter.add.f32 [tilespmem:s19], [sflag:$0x3], $0x80, s24, s17, $0xb8;
	[tilespmem:$0x1E800] =	vst v63  }
0x61: {  	_ =	swait.ge [sflag:s14], $0x4000  }
0x62: {  	[sflag:s14] =	ssyncset.done $0x0  }
0x63: {  	s30 =	simm.s32 $0x0;
	[sflag:s14] =	ssyncadd.s32 $0xFFFFC000  }
0x64: {  	[tilespmem:s15], [sflag:$0x3] =	stream.linear.gather [hbm4b:s11+s30], $0x1400, $0x38;
	[tilespmem:$0x1E800] =	vst v63  }
0x65: {  	_ =	swait.ge [sflag:s14], $0x1400  }
0x66: {  	[sflag:s14] =	ssyncset.done $0x0  }
0x67: {  	[sflag:s14] =	ssyncadd.s32 $0xFFFFEC00  }
0x68: {  	[tilespmem:s16], [sflag:$0x3] =	stream.linear.gather [hbm4b:s12+s30], $0x1400, $0x38;
	[tilespmem:$0x1E800] =	vst v63  }
0x69: {  	_ =	swait.ge [sflag:s14], $0x1400  }
0x6a: {  	[sflag:s14] =	ssyncset.done $0x0  }
0x6b: {  	[sflag:s14] =	ssyncadd.s32 $0xFFFFEC00  }
0x6c: {  	[tilespmem:s18], [sflag:$0x1] =	stream.indirect.gather [hbm4b:s4+s17], $0x80, s15, s17, $0xb8;
	[tilespmem:$0x1E800] =	vst v63  }
0x6d: {  	s31 =	simm.s32 $0x14080  }
0x6e: {  	[tilespmem:s19], [sflag:$0x2] =	stream.indirect.gather [hbm4b:s4+s17], $0x80, s31, s17, $0xb8;
	[tilespmem:$0x1E800] =	vst v63  }
0x6f: {  	_ =	swait.ge [sflag:s20], $0x4000  }
0x70: {  	[sflag:s20] =	ssyncset.done $0x0  }
0x71: {  	s29 =	simm.s32 $0x15400;
	[sflag:s20] =	ssyncadd.s32 $0xFFFFC000  }
0x72: {  	[spmem:s2] =	stream.indirect.scatter.add.f32 [tilespmem:s18], [sflag:$0x3], $0x80, s29, s17, $0xb8;
	[tilespmem:$0x1E800] =	vst v63  }
0x73: {  	_ =	swait.ge [sflag:s14], $0x4000  }
0x74: {  	[sflag:s14] =	ssyncset.done $0x0  }
0x75: {  	s30 =	simm.s32 $0x14100;
	[sflag:s14] =	ssyncadd.s32 $0xFFFFC000  }
0x76: {  	[tilespmem:s18], [sflag:$0x1] =	stream.indirect.gather [hbm4b:s4+s17], $0x80, s30, s17, $0xb8;
	[tilespmem:$0x1E800] =	vst v63  }
0x77: {  	_ =	swait.ge [sflag:s21], $0x4000  }
0x78: {  	[sflag:s21] =	ssyncset.done $0x0  }
0x79: {  	s31 =	simm.s32 $0x15480;
	[sflag:s21] =	ssyncadd.s32 $0xFFFFC000  }
0x7a: {  	[spmem:s2] =	stream.indirect.scatter.add.f32 [tilespmem:s19], [sflag:$0x3], $0x80, s31, s17, $0xb8;
	[tilespmem:$0x1E800] =	vst v63  }
0x7b: {  	_ =	swait.ge [sflag:s14], $0x4000  }
0x7c: {  	s26 =	simm.s32 $0x100;
	s28 =	simm.s32 $0x800;
	[sflag:s14] =	ssyncset.done $0x0  }
.LBB2_4:
0x7d: {  	s29 =	sadd.s32 $0x14080, s26  }
0x7e: {  	[sflag:s14] =	ssyncadd.s32 $0xFFFFC000;
	s30 =	smov.u32 s28;
	s31 =	sadd.s32 $0x400, s28  }
0x7f: {  	[tilespmem:s19], [sflag:$0x2] =	stream.indirect.gather [hbm4b:s4+s17], $0x80, s29, s17, $0xb8;
	[tilespmem:$0x1E800] =	vst v63  }
0x80: {  	p0 =	sne.s32 s28, $0x4800;
	_ =	swait.ge [sflag:s20], $0x4000  }
0x81: {  	[sflag:s20] =	ssyncset.done $0x0  }
0x82: {  	s28 =	sadd.s32 $0x15400, s26;
	[sflag:s20] =	ssyncadd.s32 $0xFFFFC000  }
0x83: {  	[spmem:s2] =	stream.indirect.scatter.add.f32 [tilespmem:s18], [sflag:$0x3], $0x80, s28, s17, $0xb8;
	[tilespmem:$0x1E800] =	vst v63  }
0x84: {  	_ =	swait.ge [sflag:s14], $0x4000  }
0x85: {  	[sflag:s14] =	ssyncset.done $0x0  }
0x86: {  	s28 =	sadd.s32 $0x14100, s26;
	[sflag:s14] =	ssyncadd.s32 $0xFFFFC000  }
0x87: {  	[tilespmem:s18], [sflag:$0x1] =	stream.indirect.gather [hbm4b:s4+s17], $0x80, s28, s17, $0xb8;
	[tilespmem:$0x1E800] =	vst v63  }
0x88: {  	_ =	swait.ge [sflag:s21], $0x4000  }
.Ltmp1:
0x89: {  	[sflag:s21] =	ssyncset.done $0x0;
	(pc) =	sbr.rel @p0 .LBB2_4-.Ltmp1, $4  }
0x8a: {  	s26 =	sadd.s32 $0x15480, s26;
	[sflag:s21] =	ssyncadd.s32 $0xFFFFC000  }
0x8b: {  	[spmem:s2] =	stream.indirect.scatter.add.f32 [tilespmem:s19], [sflag:$0x3], $0x80, s26, s17, $0xb8;
	[tilespmem:$0x1E800] =	vst v63  }
0x8c: {  	_ =	swait.ge [sflag:s14], $0x4000  }
0x8d: {  	s28 =	smov.u32 s31;
	s26 =	sshra.s32 s30, $0x2;
	[sflag:s14] =	ssyncset.done $0x0  }
0x8e: {  	s28 =	sadd.s32 $0x14080, s26;
	[sflag:s14] =	ssyncadd.s32 $0xFFFFC000  }
0x8f: {  	[tilespmem:s19], [sflag:$0x2] =	stream.indirect.gather [hbm4b:s4+s17], $0x80, s28, s17, $0xb8;
	[tilespmem:$0x1E800] =	vst v63  }
0x90: {  	_ =	swait.ge [sflag:s20], $0x4000  }
0x91: {  	[sflag:s20] =	ssyncset.done $0x0  }
0x92: {  	s29 =	sadd.s32 $0x15400, s26;
	[sflag:s20] =	ssyncadd.s32 $0xFFFFC000  }
0x93: {  	[spmem:s2] =	stream.indirect.scatter.add.f32 [tilespmem:s18], [sflag:$0x3], $0x80, s29, s17, $0xb8;
	[tilespmem:$0x1E800] =	vst v63  }
0x94: {  	_ =	swait.ge [sflag:s14], $0x4000  }
0x95: {  	[sflag:s14] =	ssyncset.done $0x0  }
0x96: {  	s30 =	sadd.s32 $0x14100, s26;
	[sflag:s14] =	ssyncadd.s32 $0xFFFFC000  }
0x97: {  	[tilespmem:s18], [sflag:$0x1] =	stream.indirect.gather [hbm4b:s4+s17], $0x80, s30, s17, $0xb8;
	[tilespmem:$0x1E800] =	vst v63  }
0x98: {  	_ =	swait.ge [sflag:s21], $0x4000  }
0x99: {  	[sflag:s21] =	ssyncset.done $0x0  }
0x9a: {  	s31 =	sadd.s32 $0x15480, s26;
	[sflag:s21] =	ssyncadd.s32 $0xFFFFC000  }
0x9b: {  	[spmem:s2] =	stream.indirect.scatter.add.f32 [tilespmem:s19], [sflag:$0x3], $0x80, s31, s17, $0xb8;
	[tilespmem:$0x1E800] =	vst v63  }
0x9c: {  	_ =	swait.ge [sflag:s14], $0x4000  }
0x9d: {  	[sflag:s14] =	ssyncset.done $0x0  }
0x9e: {  	[sflag:s14] =	ssyncadd.s32 $0xFFFFC000  }
0x9f: {  	[tilespmem:s19], [sflag:$0x2] =	stream.indirect.gather [hbm4b:s4+s17], $0x80, s22, s17, $0xb8;
	[tilespmem:$0x1E800] =	vst v63  }
0xa0: {  	_ =	swait.ge [sflag:s20], $0x4000  }
0xa1: {  	[sflag:s20] =	ssyncset.done $0x0  }
0xa2: {  	[sflag:s20] =	ssyncadd.s32 $0xFFFFC000  }
0xa3: {  	[spmem:s2] =	stream.indirect.scatter.add.f32 [tilespmem:s18], [sflag:$0x3], $0x80, s23, s17, $0xb8;
	[tilespmem:$0x1E800] =	vst v63  }
0xa4: {  	_ =	swait.ge [sflag:s14], $0x4000  }
0xa5: {  	[sflag:s14] =	ssyncset.done $0x0  }
0xa6: {  	[sflag:s14] =	ssyncadd.s32 $0xFFFFC000  }
0xa7: {  	_ =	swait.ge [sflag:s21], $0x4000  }
0xa8: {  	[sflag:s21] =	ssyncset.done $0x0  }
0xa9: {  	[sflag:s21] =	ssyncadd.s32 $0xFFFFC000  }
0xaa: {  	[spmem:s2] =	stream.indirect.scatter.add.f32 [tilespmem:s19], [sflag:$0x3], $0x80, s24, s17, $0xb8;
	[tilespmem:$0x1E800] =	vst v63  }
0xab: {  	_ =	swait.ge [sflag:s14], $0x4000  }
0xac: {  	s25 =	sadd.s32 $0x1, s25;
	[sflag:s14] =	ssyncset.done $0x0  }
0xad: {  	p0 =	sne.s32 s25, s8;
	[sflag:s14] =	ssyncadd.s32 $0xFFFFC000  }
.Ltmp2:
0xae: {  	[bflag:$0x0] =	sbarrier.arrive $0xFFFF;
	(pc) =	sbr.rel @p0 .LBB2_1-.Ltmp2, $4  }
0xaf: {  	[hbm:s7], [sflag:s6] =	dma.local [spmem:s13], $0x2800  }
0xb0: {  	_ =	swait.ge [sflag:s14], $0x2800  }
0xb1: {  	[sflag:s14] =	ssyncset.done $0x0  }
0xb2: {  	[sflag:s14] =	ssyncadd.s32 $0xFFFFD800  }
0xb3: {  	_ =	sfence.sel $0x180000  }
0xb4: {  	[bflag:$0x0] =	sbarrier.arrive $0xFFFF  }
0xb5: {  	p0 =	sne.s32 s1, $0x0;
	_ =	strace $0x9000004D  }
0xb6: {  	s0 =	sadd.s32 @!p0 $0x100000, s0;
	[bflag:$0x2] =	sbarrier.arrive $0xFFFF  }
0xb7: {  	[sflag:s0] =	ssyncadd.tile.s32 @!p0 $0x1;
	_ =	shalt  }
.Lfunc_end2:
_tile_overlayer_lowered:
.L_overlay_start_2:
0xb8: {  	(tag) =	ssettag $0x2  }
0xb9: {  	s0 =	rddreg [dreg:$0x0];
	s2 =	stileid.u32  }
0xba: {  	s1 =	rddreg [dreg:$0x1];
	p0 =	sne.s32 s2, $0x0  }
0xbb: {  	s3 =	rddreg [dreg:$0x2];
	[bflag:$0x3] =	sbarrier.arrive $0xFFFF;
	s2 =	simm.s32 @!p0 $0x1C03  }
0xbc: {  	[timem:s3], [sflag:s2] =	dma.local @!p0 [hbm:s0], s1  }
0xbd: {  	s0 =	simm.s32 @!p0 $0x3  }
0xbe: {  	_ =	swait.ge @!p0 [sflag:s0], s1  }
0xbf: {  	s1 =	ssub.s32 @!p0 $0x0, s1;
	[sflag:s0] =	ssyncset.done @!p0 $0x0  }
0xc0: {  	[sflag:s0] =	ssyncadd.s32 @!p0 s1  }
0xc1: {  	[bflag:$0x3] =	sbarrier.arrive $0xFFFF  }
0xc2: {  	_ =	shalt  }

// kernel: kernel.8.cloned.1.call-start
scs
__scs_entry_jumppad:
0x0: {  	(pc) =	sbr.rel $0x88, $3  }
0x1: {  	(tag) =	ssettag $0x0;
	lr =	simm.s32 $0x1  }
0x2: {  	[smem:$0x3F9B] =	sst lr;
	_ =	strace $0xD0000000  }
0x3: {  	_ = 	snop  }
0x4: {  	_ = 	snop  }
0x5: {  	_ = 	snop  }
0x6: {  	_ = 	snop  }
0x7: {  	_ = 	snop  }
__scs_overlays_trampoline_lowered:
0x8: {  	[smem:$0x3FAA] =	sst s0  }
0x9: {  	[smem:$0x3FAB] =	sst s1  }
0xa: {  	[smem:$0x3FAC] =	sst s2  }
0xb: {  	[smem:$0x3FAD] =	sst s3  }
0xc: {  	[smem:$0x3FAE] =	sst s4  }
0xd: {  	[smem:$0x3FAF] =	sst s5  }
0xe: {  	[smem:$0x3FB0] =	sst s6  }
0xf: {  	[smem:$0x3FB1] =	sst s7  }
0x10: {  	[smem:$0x3FB2] =	sst s8  }
0x11: {  	[smem:$0x3FB3] =	sst s9;
	s0 =	simm.s32 @!p0 $0x0  }
0x12: {  	s1 =	sld [smem:$0x3F99];
	s0 =	simm.s32 @p0 $0x1  }
0x13: {  	[smem:$0x3FB4] =	sst s0;
	s0 =	simm.s32 @!p1 $0x0  }
0x14: {  	s2 =	sld [smem:$0x3F98];
	s0 =	simm.s32 @p1 $0x1  }
0x15: {  	[smem:$0x3FB5] =	sst s0;
	s0 =	simm.s32 @!p2 $0x0  }
0x16: {  	s3 =	sld [smem:$0x3FDB];
	s0 =	simm.s32 @p2 $0x1  }
0x17: {  	s4 =	simm.s32 $0x1BF5;
	[smem:$0x3FB7] =	sst s0  }
0x18: {  	s0 =	sld [smem:$0x3F9A];
	_ =	swait.ge [sflag:s4], $0x0  }
0x19: {  	s7 =	sld [smem:$0x3F9B]  }
0x1a: {  	s8 =	sadd.s32 $0xFFFFE003, lr  }
0x1b: {  	s9 =	sadd.s32 $0xFFFFFEF7, lr;
	s5 =	simm.s32 $0xFFFFFFFF;
	p2 =	slt.u32 s8, $0xFFFFF086  }
0x1c: {  	p1 =	slt.u32 s9, $0xF7A;
	s5 =	simm.s32 @!p2 $0x0  }
0x1d: {  	s5 =	simm.s32 @p1 $0x1;
	p0 =	seq.s32 s7, s2  }
0x1e: {  	s7 =	smul.u32 @!p0 $0xF7A, s2;
	p2 =	seq.s32 @!p0 s5, $0x0  }
0x1f: {  	s9 =	smul.u32 $0xF7A, s1;
	s8 =	simm.s32 @!p0 $0x1BF5;
	p2 =	por !p2, p0  }
0x20: {  	[sflag:s8] =	ssyncset.s32 @!p0 $0xFFFFF086;
	s6 =	sadd.s32 @!p0 s3, s7;
	s7 =	simm.s32 @!p0 $0x108  }
0x21: {  	s3 =	sadd.s32 s3, s9;
	s6 =	sadd.s32 @!p0 $0x88, s6;
	s7 =	simm.s32 @p2 $0x1082  }
0x22: {  	[simem:s7], [sflag:s8] =	dma.local @!p0 [hbm:s6], $0xF7A  }
0x23: {  	s9 =	sor.u32 $0xD0000000, s2;
	s6 =	simm.s32 $0x108;
	_ =	swait.ge @!p0 [sflag:s8], $0x0  }
0x24: {  	s3 =	sadd.s32 $0x88, s3;
	s6 =	simm.s32 @!p1 $0x1082;
	[sflag:s4] =	ssyncset.s32 $0xFFFFF086  }
0x25: {  	[simem:s6], [sflag:s4] =	dma.local [hbm:s3], $0xF7A  }
0x26: {  	[smem:$0x3F9B] =	sst s1;
	(tag) =	ssettag s2;
	_ =	strace s9  }
0x27: {  	s1 =	sld [smem:$0x3FAB]  }
0x28: {  	s2 =	sld [smem:$0x3FAC]  }
0x29: {  	s4 =	sld [smem:$0x3FAE]  }
0x2a: {  	p0 =	seq.s32 s5, $0x0;
	s5 =	sld [smem:$0x3FAF]  }
0x2b: {  	s6 =	sld [smem:$0x3FB0]  }
0x2c: {  	s7 =	sld [smem:$0x3FB1]  }
0x2d: {  	s3 =	simm.s32 $0x108;
	s8 =	sld [smem:$0x3FB2]  }
0x2e: {  	s3 =	simm.s32 @!p0 $0x1082;
	s9 =	sld [smem:$0x3FB3]  }
0x2f: {  	lr =	sadd.s32 s0, s3;
	s0 =	sld [smem:$0x3FAA]  }
0x30: {  	s3 =	sld [smem:$0x3FAD]  }
0x31: {  	[smem:$0x3FB6] =	sst s10  }
0x32: {  	s10 =	sld [smem:$0x3FB4];
	_ =	sdelay $0x3  }
0x33: {  	p0 =	seq.s32 s10, $0x1;
	s10 =	sld [smem:$0x3FB6];
	_ =	sdelay $0x3  }
0x34: {  	[smem:$0x3FB6] =	sst s10  }
0x35: {  	s10 =	sld [smem:$0x3FB5];
	_ =	sdelay $0x3  }
0x36: {  	p1 =	seq.s32 s10, $0x1;
	s10 =	sld [smem:$0x3FB6];
	_ =	sdelay $0x3  }
0x37: {  	[smem:$0x3FB6] =	sst s10  }
0x38: {  	s10 =	sld [smem:$0x3FB7]  }
0x39: {  	_ = 	snop;
	(pc) =	sbr.ind lr, $3  }
0x3a: {  	_ = 	snop  }
0x3b: {  	_ = 	snop  }
0x3c: {  	p2 =	seq.s32 s10, $0x1;
	s10 =	sld [smem:$0x3FB6]  }
0x3d: {  	_ =	shalt  }
0x3e: {  	_ =	shalt  }
0x3f: {  	_ =	shalt  }
0x40: {  	_ =	shalt  }
0x41: {  	_ =	shalt  }
0x42: {  	_ =	shalt  }
0x43: {  	_ =	shalt  }
0x44: {  	_ =	shalt  }
0x45: {  	_ =	shalt  }
0x46: {  	_ =	shalt  }
0x47: {  	_ =	shalt  }
0x48: {  	_ =	shalt  }
0x49: {  	_ =	shalt  }
0x4a: {  	_ =	shalt  }
0x4b: {  	_ =	shalt  }
0x4c: {  	_ =	shalt  }
0x4d: {  	_ =	shalt  }
0x4e: {  	_ =	shalt  }
0x4f: {  	_ =	shalt  }
0x50: {  	_ =	shalt  }
0x51: {  	_ =	shalt  }
0x52: {  	_ =	shalt  }
0x53: {  	_ =	shalt  }
0x54: {  	_ =	shalt  }
0x55: {  	_ =	shalt  }
0x56: {  	_ =	shalt  }
0x57: {  	_ =	shalt  }
0x58: {  	_ =	shalt  }
0x59: {  	_ =	shalt  }
0x5a: {  	_ =	shalt  }
0x5b: {  	_ =	shalt  }
0x5c: {  	_ =	shalt  }
0x5d: {  	_ =	shalt  }
0x5e: {  	_ =	shalt  }
0x5f: {  	_ =	shalt  }
0x60: {  	_ =	shalt  }
0x61: {  	_ =	shalt  }
0x62: {  	_ =	shalt  }
0x63: {  	_ =	shalt  }
0x64: {  	_ =	shalt  }
0x65: {  	_ =	shalt  }
0x66: {  	_ =	shalt  }
0x67: {  	_ =	shalt  }
0x68: {  	_ =	shalt  }
0x69: {  	_ =	shalt  }
0x6a: {  	_ =	shalt  }
0x6b: {  	_ =	shalt  }
0x6c: {  	_ =	shalt  }
0x6d: {  	_ =	shalt  }
0x6e: {  	_ =	shalt  }
0x6f: {  	_ =	shalt  }
0x70: {  	_ =	shalt  }
0x71: {  	_ =	shalt  }
0x72: {  	_ =	shalt  }
0x73: {  	_ =	shalt  }
0x74: {  	_ =	shalt  }
0x75: {  	_ =	shalt  }
0x76: {  	_ =	shalt  }
0x77: {  	_ =	shalt  }
0x78: {  	_ =	shalt  }
0x79: {  	_ =	shalt  }
0x7a: {  	_ =	shalt  }
0x7b: {  	_ =	shalt  }
0x7c: {  	_ =	shalt  }
0x7d: {  	_ =	shalt  }
0x7e: {  	_ =	shalt  }
0x7f: {  	_ =	shalt  }
0x80: {  	_ =	shalt  }
0x81: {  	_ =	shalt  }
0x82: {  	_ =	shalt  }
0x83: {  	_ =	shalt  }
0x84: {  	_ =	shalt  }
0x85: {  	_ =	shalt  }
0x86: {  	_ =	shalt  }
0x87: {  	_ =	shalt  }
.Lfunc_end0:
.L_simem_size_0:
called_computation_lowered:
.L_overlay_start_0:
0x88: {  	s2 =	sld [smem:$0x3FD9]  }
0x89: {  	s3 =	sld [smem:$0x3FFE];
	_ =	sdelay $0x1  }
0x8a: {  	s1 =	srdreg.scid  }
0x8b: {  	s0 =	sand.u32 $0x1, s1  }
0x8c: {  	s16 =	sshll.u32 s0, $0xA;
	s2 =	sadd.s32 s3, s2  }
0x8d: {  	s2 =	sadd.s32 s2, s16  }
0x8e: {  	[smem:$0x3FC2] =	sst s2  }
0x8f: {  	_ = 	snop  }
0x90: {  	(tm) =	ssettm $0x1  }
0x91: {  	s17 =	sld [smem:$0x3FFB];
	_ =	sdelay $0x3  }
0x92: {  	_ =	strace s17  }
0x93: {  	s2 =	sld [smem:$0x3FFC];
	_ =	sdelay $0x3  }
0x94: {  	_ =	strace s2  }
0x95: {  	s2 =	sld [smem:$0x3FFD];
	_ =	sdelay $0x3  }
0x96: {  	_ =	strace s2  }
0x97: {  	_ =	strace $0x8FFFFFFF  }
0x98: {  	s18 =	sld [smem:$0x3FDB];
	_ =	sdelay $0x1  }
0x99: {  	s19 =	simm.s32 $_scs_section_size  }
0x9a: {  	s4 =	simm.s32 $_size__tile_overlayer_lowered;
	s5 =	simm.s32 $_tile_overlayer_lowered  }
0x9b: {  	s22 =	simm.s32 $0x1BFF;
	s21 =	sshll.u32 s5, $0x1;
	s2 =	sadd.s32 s19, s18  }
0x9c: {  	s6 =	simm.s32 $0x0;
	s20 =	sshll.u32 s4, $0x1;
	s4 =	sadd.s32 s21, s2  }
0x9d: {  	[timem:s6], [sflag:s22] =	dma.local [hbm:s4], s20  }
0x9e: {  	_ =	swait.ge [sflag:s22], s20  }
0x9f: {  	s3 =	ssub.s32 $0x0, s20;
	[sflag:s22] =	ssyncset.done $0x0  }
0xa0: {  	[sflag:s22] =	ssyncadd.s32 s3;
	_ =	sdelay $0x1  }
0xa1: {  	s23 =	simm.s32 $0x1B8B  }
0xa2: {  	_ =	swait.ge [sflag:s23], $0x1  }
0xa3: {  	[sflag:s23] =	ssyncset.done $0x0  }
0xa4: {  	s25 =	simm.s32 $0x1B8E;
	s24 =	sld [smem:$0x3FFE];
	[sflag:s23] =	ssyncadd.s32 $0xFFFFFFFF  }
0xa5: {  	s26 =	simm.s32 $execute0_lowered;
	[smem:$0x3FD2] =	sst s25  }
0xa6: {  	s4 =	sshll.u32 s26, $0x1;
	_ =	strace $0x80000046;
	[dreg:$0x1] =	wrdreg $0xFFFFFFFF  }
0xa7: {  	s28 =	simm.s32 $_size_execute0_lowered;
	s2 =	sadd.s32 s2, s4;
	[dreg:$0x0] =	wrdreg $0x0  }
0xa8: {  	s4 =	sshll.u32 s28, $0x1;
	[dreg:$0x2] =	wrdreg s2  }
0xa9: {  	[dreg:$0x3] =	wrdreg s4  }
0xaa: {  	[dreg:$0x4] =	wrdreg $0xC0  }
0xab: {  	_ =	task [dreg:s6], $0x5FFFF  }
0xac: {  	[dreg:$0x1] =	wrdreg $0xFFFFFFFF  }
0xad: {  	[dreg:$0x0] =	wrdreg $0x60  }
0xae: {  	[dreg:$0x2] =	wrdreg s24  }
0xaf: {  	[dreg:$0x3] =	wrdreg $0x0  }
0xb0: {  	[dreg:$0x4] =	wrdreg $0x9  }
0xb1: {  	_ =	task.clear_ibuf [dreg:s6], $0x5FFFF;
	_ =	strace $0x90000046  }
0xb2: {  	s29 =	simm.s32 $0x9;
	_ =	strace $0x80000048  }
0xb3: {  	_ =	swait.ge [sflag:s29], $0x1  }
0xb4: {  	[sflag:s29] =	ssyncadd.s32 $0xFFFFFFFF  }
0xb5: {  	_ =	strace $0x90000048  }
0xb6: {  	_ =	sfence  }
0xb7: {  	s30 =	sld [smem:$0x0];
	_ =	sdelay $0x2  }
0xb8: {  	s31 =	sshll.u32 s1, $0xD;
	s1 =	sshrl.u32 s1, $0x2  }
0xb9: {  	s3 =	sand.u32 $0x4000, s31;
	s1 =	sadd.s32 s1, s30  }
0xba: {  	s0 =	sor.u32 s3, s0;
	s1 =	sshll.u32 s1, $0x11  }
0xbb: {  	s0 =	sor.u32 s1, s0  }
0xbc: {  	s0 =	sadd.s32 $0x8F2B, s0  }
0xbd: {  	[sflag:s0] =	ssyncadd.remote.s32 $0x1  }
0xbe: {  	_ =	sfence.sel $0xFFFF  }
0xbf: {  	[dreg:$0x0] =	wrdreg $0xFFFFFFFF;
	(pc) =	sbr.abs _section_cstart, $3  }
0xc0: {  	[dreg:$0x1] =	wrdreg $0xFFFFFFFF  }
0xc1: {  	_ =	task.clear_ibuf [dreg:s6], $0x2FFFF;
	_ =	strace $0x9FFFFFFF  }
0xc2: {  	(tm) =	ssettm $0x7FFFFFFF  }
0xc3: {  	_ =	shalt  }
tec
execute0_lowered:
.L_overlay_start_1:
0x0: {  	(tag) =	ssettag $0x1  }
0x1: {  	s1 =	srdreg.scid;
	s6 =	rddreg [dreg:$0x0]  }
0x2: {  	s0 =	stileid.u32;
	s2 =	rddreg [dreg:$0x1]  }
0x3: {  	s3 =	simm.s32 $0x0;
	s13 =	simm.s32 $0x280;
	s14 =	simm.s32 $0x80  }
0x4: {  	s15 =	simm.s32 $0x1;
	s16 =	simm.s32 $0x2;
	s17 =	simm.s32 $0x2A00  }
0x5: {  	s18 =	simm.s32 $0x0;
	s5 =	sand.u32 $0x1, s1;
	s30 =	sshll.u32 s0, $0x1  }
0x6: {  	s7 =	smul.u32 $0x280, s0;
	[smem:$0x7FF] =	sst s3;
	s31 =	sshll.u32 s0, $0x6  }
0x7: {  	s1 =	sor.u32 s5, s30;
	s8 =	smul.u32 $0x2800, s5;
	s5 =	ssub.s32 $0x2, s5  }
0x8: {  	s4 =	smul.u32 $0x500, s1;
	s1 =	rddreg [dreg:$0x2];
	_ =	strace $0x80000047  }
0x9: {  	s10 =	sshrl.u32 s7, $0x3;
	s11 =	sshrl.u32 s5, $0x1;
	s12 =	sadd.s32 s7, s2  }
0xa: {  	s8 =	sadd.s32 s7, s8;
	s10 =	sadd.s32 s10, s6;
	s11 =	ssub.s32 s5, s11  }
0xb: {  	s9 =	sadd.s32 s4, s6;
	s4 =	sadd.s32 $0xBC00, s6;
	s8 =	sshrl.u32 s8, $0x3  }
0xc: {  	s5 =	sadd.s32 $0xBE00, s10;
	s10 =	sshrl.u32 s12, $0x3;
	s12 =	simm.s32 $0x2A80  }
0xd: {  	s8 =	sadd.s32 s8, s6;
	s6 =	sor.u32 $0x1C03, s31;
	s7 =	sadd.s32 $0x1C00, s9  }
0xe: {  	s9 =	smax.u32 s11, $0x1;
	s11 =	simm.s32 $0x3;
	s8 =	sadd.s32 $0xC400, s8  }
.LBB2_1:
0xf: {  	[spmem:s10], [sflag:s6] =	dma.local [hbm:s5], $0x50  }
0x10: {  	_ =	swait.ge [sflag:s11], $0x50  }
0x11: {  	[sflag:s11] =	ssyncset.done $0x0  }
0x12: {  	[sflag:s11] =	ssyncadd.s32 $0xFFFFFFB0  }
0x13: {  	[tilespmem:s12], [sflag:$0x3] =	stream.linear.gather [hbm4b:s4+s3], $0x80, $0x38;
	[tilespmem:$0x2B00] =	vst v63  }
0x14: {  	_ =	swait.ge [sflag:s11], $0x80  }
0x15: {  	[sflag:s11] =	ssyncset.done $0x0  }
0x16: {  	[sflag:s11] =	ssyncadd.s32 $0xFFFFFF80  }
0x17: {  	[tilespmem:s13], [sflag:$0x3] =	stream.linear.gather [hbm4b:s7+s3], $0x2800, $0x38;
	[tilespmem:$0x2B00] =	vst v63  }
0x18: {  	_ =	swait.ge [sflag:s11], $0x2800  }
0x19: {  	[sflag:s11] =	ssyncset.done $0x0  }
0x1a: {  	[sflag:s11] =	ssyncadd.s32 $0xFFFFD800  }
0x1b: {  	[bflag:$0x0] =	sbarrier.arrive $0xFFFF  }
0x1c: {  	[spmem:s2] =	stream.indirect.scatter.add.f32 [tilespmem:s12], [sflag:$0x1], $0x1, s13, s14, $0xb8;
	[tilespmem:$0x2B00] =	vst v63  }
0x1d: {  	s19 =	simm.s32 $0x300  }
0x1e: {  	[spmem:s2] =	stream.indirect.scatter.add.f32 [tilespmem:s12], [sflag:$0x2], $0x1, s19, s14, $0xb8;
	[tilespmem:$0x2B00] =	vst v63  }
0x1f: {  	_ =	swait.ge [sflag:s15], $0x80  }
0x20: {  	[sflag:s15] =	ssyncset.done $0x0  }
0x21: {  	s31 =	simm.s32 $0x380;
	[sflag:s15] =	ssyncadd.s32 $0xFFFFFF80  }
0x22: {  	[spmem:s2] =	stream.indirect.scatter.add.f32 [tilespmem:s12], [sflag:$0x1], $0x1, s31, s14, $0xb8;
	[tilespmem:$0x2B00] =	vst v63  }
0x23: {  	_ =	swait.ge [sflag:s16], $0x80  }
0x24: {  	s20 =	simm.s32 $0xFFFF6C00;
	s19 =	simm.s32 $0xFFFFDA00;
	[sflag:s16] =	ssyncset.done $0x0  }
.LBB2_2:
0x25: {  	s21 =	sadd.s32 $0x2A00, s19  }
0x26: {  	[sflag:s16] =	ssyncadd.s32 $0xFFFFFF80;
	s22 =	smov.u32 s20;
	s23 =	sadd.s32 $0x400, s20  }
0x27: {  	[spmem:s2] =	stream.indirect.scatter.add.f32 [tilespmem:s12], [sflag:$0x2], $0x1, s21, s14, $0xb8;
	[tilespmem:$0x2B00] =	vst v63  }
0x28: {  	p0 =	sne.s32 s20, $0xFFFFFC00;
	_ =	swait.ge [sflag:s15], $0x80  }
.Ltmp0:
0x29: {  	[sflag:s15] =	ssyncset.done $0x0;
	(pc) =	sbr.rel @p0 .LBB2_2-.Ltmp0, $4  }
0x2a: {  	s19 =	sadd.s32 $0x2A80, s19;
	[sflag:s15] =	ssyncadd.s32 $0xFFFFFF80  }
0x2b: {  	[spmem:s2] =	stream.indirect.scatter.add.f32 [tilespmem:s12], [sflag:$0x1], $0x1, s19, s14, $0xb8;
	[tilespmem:$0x2B00] =	vst v63  }
0x2c: {  	_ =	swait.ge [sflag:s16], $0x80  }
0x2d: {  	s20 =	smov.u32 s23;
	s19 =	sshra.s32 s22, $0x2;
	[sflag:s16] =	ssyncset.done $0x0  }
0x2e: {  	s20 =	sadd.s32 $0x2A00, s19;
	[sflag:s16] =	ssyncadd.s32 $0xFFFFFF80  }
0x2f: {  	[spmem:s2] =	stream.indirect.scatter.add.f32 [tilespmem:s12], [sflag:$0x2], $0x1, s20, s14, $0xb8;
	[tilespmem:$0x2B00] =	vst v63  }
0x30: {  	_ =	swait.ge [sflag:s15], $0x80  }
0x31: {  	[sflag:s15] =	ssyncset.done $0x0  }
0x32: {  	s31 =	sadd.s32 $0x2A80, s19;
	[sflag:s15] =	ssyncadd.s32 $0xFFFFFF80  }
0x33: {  	[spmem:s2] =	stream.indirect.scatter.add.f32 [tilespmem:s12], [sflag:$0x1], $0x1, s31, s14, $0xb8;
	[tilespmem:$0x2B00] =	vst v63  }
0x34: {  	_ =	swait.ge [sflag:s16], $0x80  }
0x35: {  	[sflag:s16] =	ssyncset.done $0x0  }
0x36: {  	[sflag:s16] =	ssyncadd.s32 $0xFFFFFF80  }
0x37: {  	[spmem:s2] =	stream.indirect.scatter.add.f32 [tilespmem:s12], [sflag:$0x2], $0x1, s17, s14, $0xb8;
	[tilespmem:$0x2B00] =	vst v63  }
0x38: {  	_ =	swait.ge [sflag:s15], $0x80  }
0x39: {  	[sflag:s15] =	ssyncset.done $0x0  }
0x3a: {  	[sflag:s15] =	ssyncadd.s32 $0xFFFFFF80  }
0x3b: {  	_ =	swait.ge [sflag:s16], $0x80  }
0x3c: {  	s18 =	sadd.s32 $0x1, s18;
	[sflag:s16] =	ssyncset.done $0x0  }
0x3d: {  	p0 =	sne.s32 s18, s9;
	[sflag:s16] =	ssyncadd.s32 $0xFFFFFF80  }
.Ltmp1:
0x3e: {  	[bflag:$0x0] =	sbarrier.arrive $0xFFFF;
	(pc) =	sbr.rel @p0 .LBB2_1-.Ltmp1, $4  }
0x3f: {  	[hbm:s8], [sflag:s6] =	dma.local [spmem:s10], $0x50  }
0x40: {  	_ =	swait.ge [sflag:s11], $0x50  }
0x41: {  	[sflag:s11] =	ssyncset.done $0x0  }
0x42: {  	[sflag:s11] =	ssyncadd.s32 $0xFFFFFFB0  }
0x43: {  	_ =	sfence.sel $0x180000  }
0x44: {  	[bflag:$0x0] =	sbarrier.arrive $0xFFFF  }
0x45: {  	p0 =	sne.s32 s0, $0x0;
	_ =	strace $0x90000047  }
0x46: {  	s0 =	sadd.s32 @!p0 $0x100000, s1;
	[bflag:$0x2] =	sbarrier.arrive $0xFFFF  }
0x47: {  	[sflag:s0] =	ssyncadd.tile.s32 @!p0 $0x1;
	_ =	shalt  }
.Lfunc_end2:
_tile_overlayer_lowered:
.L_overlay_start_2:
0x48: {  	(tag) =	ssettag $0x2  }
0x49: {  	s0 =	rddreg [dreg:$0x0];
	s2 =	stileid.u32  }
0x4a: {  	s1 =	rddreg [dreg:$0x1];
	p0 =	sne.s32 s2, $0x0  }
0x4b: {  	s3 =	rddreg [dreg:$0x2];
	[bflag:$0x3] =	sbarrier.arrive $0xFFFF;
	s2 =	simm.s32 @!p0 $0x1C03  }
0x4c: {  	[timem:s3], [sflag:s2] =	dma.local @!p0 [hbm:s0], s1  }
0x4d: {  	s0 =	simm.s32 @!p0 $0x3  }
0x4e: {  	_ =	swait.ge @!p0 [sflag:s0], s1  }
0x4f: {  	s1 =	ssub.s32 @!p0 $0x0, s1;
	[sflag:s0] =	ssyncset.done @!p0 $0x0  }
0x50: {  	[sflag:s0] =	ssyncadd.s32 @!p0 s1  }
0x51: {  	[bflag:$0x3] =	sbarrier.arrive $0xFFFF  }
0x52: {  	_ =	shalt  }

</sc_bundles>
